<compile_context>
chip_gen: v7x
topology: tpu7x:2x2x1
jax: 0.10.2.dev20260603
libtpu: 0.0.44.dev20260713+nightly
codegen_flags: <defaults>
</compile_context>

<pallas_src>
import functools
import math

import jax
import jax.numpy as jnp
from jax import lax
from jax.experimental import pallas as pl
from jax.experimental.pallas import tpu as pltpu
from jax.experimental.pallas import tpu_sc as plsc

D_MODEL = 128
SCALE = math.sqrt(float(D_MODEL))
LANES = 16
NUM_WORKERS = 32
CHUNK = 128
NBUF = 5
LEAD = 3


def _emb_body(x_hbm, table_hbm, out_hbm, idx_all, *scratch, bpw, n_chunks):
    rows = scratch[:NBUF]
    sg = scratch[NBUF:2 * NBUF]
    sw = scratch[2 * NBUF:]
    wid = lax.axis_index("s") * 2 + lax.axis_index("c")
    base = wid * bpw

    pltpu.sync_copy(x_hbm.at[pl.ds(base, bpw)], idx_all)

    def start_gather(ci, b):
        pltpu.async_copy(table_hbm.at[idx_all.at[pl.ds(ci * CHUNK, CHUNK)]],
                         rows[b], sg[b])

    def wait_gather(b):
        pltpu.make_async_copy(table_hbm.at[idx_all.at[pl.ds(0, CHUNK)]],
                              rows[b], sg[b]).wait()

    def start_writeback(ci, b):
        pltpu.async_copy(rows[b], out_hbm.at[pl.ds(base + ci * CHUNK, CHUNK)],
                         sw[b])

    def wait_writeback(b):
        pltpu.make_async_copy(rows[b], out_hbm.at[pl.ds(base, CHUNK)],
                              sw[b]).wait()

    for ci in range(LEAD):
        start_gather(ci, ci)

    def outer(g, carry):
        for b in range(NBUF):
            ci = NBUF * g + b
            b2 = (b + LEAD) % NBUF
            wait_gather(b)

            @pl.when(ci + LEAD < n_chunks)
            def _():
                @pl.when(ci >= NBUF - LEAD)
                def _():
                    wait_writeback(b2)
                start_gather(ci + LEAD, b2)

            def scale_row(r, c):
                for k in range(D_MODEL // LANES):
                    sl = pl.ds(k * LANES, LANES)
                    rows[b][r, sl] = rows[b][r, sl] * SCALE
                return c

            lax.fori_loop(0, CHUNK, scale_row, 0)
            start_writeback(ci, b)
        return carry

    lax.fori_loop(0, n_chunks // NBUF, outer, 0)
    for b in range(NBUF):
        wait_writeback(b)


@functools.partial(jax.jit, static_argnames=())
def kernel(x, table):
    b, h = x.shape
    n = b * h
    x_flat = x.reshape(n).astype(jnp.int32)
    bpw = n // NUM_WORKERS
    n_chunks = bpw // CHUNK

    mesh = plsc.VectorSubcoreMesh(core_axis_name="c", subcore_axis_name="s")
    grid_kernel = pl.kernel(
        functools.partial(_emb_body, bpw=bpw, n_chunks=n_chunks),
        out_type=jax.ShapeDtypeStruct((n, D_MODEL), jnp.float32),
        mesh=mesh,
        scratch_types=(
            [pltpu.VMEM((bpw,), jnp.int32)]
            + [pltpu.VMEM((CHUNK, D_MODEL), jnp.float32) for _ in range(NBUF)]
            + [pltpu.SemaphoreType.DMA for _ in range(2 * NBUF)]
        ),
    )
    out = grid_kernel(x_flat, table)
    return out.reshape(b, h, D_MODEL)

# --- scband reference (transcript-rebuilt; emitter-appended) ---
"""Pipeline reference for scband-embedding-56126632624774 (READ-ONLY COPY).

The authoritative reference and input builder live on the scoring server;
editing this copy changes nothing except your own understanding.
"""

import jax, jax.numpy as jnp
import numpy as np
import math

VOCAB_SIZE = 100000
D_MODEL = 128
BATCH = 4096
HIST = 200

def setup_inputs(seed: int = 0) -> dict:
    key = jax.random.key(seed)
    k1, k2 = jax.random.split(key)
    x = jax.random.randint(k1, (BATCH, HIST), 0, VOCAB_SIZE, dtype=jnp.int64 if jax.config.jax_enable_x64 else jnp.int32)
    table = jax.random.normal(k2, (VOCAB_SIZE, D_MODEL), dtype=jnp.float32)
    return {"x": x, "table": table}

def reference(x, table):
    # nn.Embedding lookup followed by scaling by sqrt(d_model)
    emb = jnp.take(table, x, axis=0)
    return emb * math.sqrt(D_MODEL)

if __name__ == "__main__":
    import jax
    _d = setup_inputs()
    print(jax.jit(kernel)(*tuple(_d.values())))

</pallas_src>

<mosaic_0001>
#map = affine_map<(d0, d1) -> (0)>
#map1 = affine_map<(d0, d1) -> (0, 0)>
module attributes {stable_mosaic.version = 14 : i64} {
  func.func @_emb_body(%arg0: i32, %arg1: i32, %arg2: memref<819200xi32, #tpu.memory_space<hbm>>, %arg3: memref<100000x128xf32, #tpu.memory_space<hbm>>, %arg4: memref<819200x128xf32, #tpu.memory_space<hbm>>, %arg5: memref<25600xi32, #tpu.memory_space<vmem>>, %arg6: memref<128x128xf32, #tpu.memory_space<vmem>>, %arg7: memref<128x128xf32, #tpu.memory_space<vmem>>, %arg8: memref<128x128xf32, #tpu.memory_space<vmem>>, %arg9: memref<128x128xf32, #tpu.memory_space<vmem>>, %arg10: memref<128x128xf32, #tpu.memory_space<vmem>>, %arg11: memref<!tpu.dma_semaphore, #tpu.memory_space<semaphore_mem>>, %arg12: memref<!tpu.dma_semaphore, #tpu.memory_space<semaphore_mem>>, %arg13: memref<!tpu.dma_semaphore, #tpu.memory_space<semaphore_mem>>, %arg14: memref<!tpu.dma_semaphore, #tpu.memory_space<semaphore_mem>>, %arg15: memref<!tpu.dma_semaphore, #tpu.memory_space<semaphore_mem>>, %arg16: memref<!tpu.dma_semaphore, #tpu.memory_space<semaphore_mem>>, %arg17: memref<!tpu.dma_semaphore, #tpu.memory_space<semaphore_mem>>, %arg18: memref<!tpu.dma_semaphore, #tpu.memory_space<semaphore_mem>>, %arg19: memref<!tpu.dma_semaphore, #tpu.memory_space<semaphore_mem>>, %arg20: memref<!tpu.dma_semaphore, #tpu.memory_space<semaphore_mem>>) attributes {dimension_semantics = [#tpu.dimension_semantics<core_parallel>, #tpu.dimension_semantics<subcore_parallel>], iteration_bounds = array<i64: 2, 16>, scalar_prefetch = 0 : i64, scratch_operands = 16 : i64, tpu.core_type = #tpu.core_type<sc_vector_subcore>, window_params = [{transform_indices = #map}, {transform_indices = #map1}, {transform_indices = #map1}]} {
    %mul3A = arith.constant 2 : i32
    %mul3A_0 = arith.muli %arg1, %mul3A : i32
    %add3A = arith.addi %mul3A_0, %arg0 : i32
    %mul3A_1 = arith.constant 25600 : i32
    %mul3A_2 = arith.muli %add3A, %mul3A_1 : i32
    "tpu.region"() ({
      %run_scoped3A = tpu.sem_alloc : memref<!tpu.dma_semaphore, #tpu.memory_space<semaphore_mem>>
      %dma_start3A_41 = tpu.memref_slice %arg2[%mul3A_2] : memref<819200xi32, #tpu.memory_space<hbm>> -> memref<25600xi32, #tpu.memory_space<hbm>>
      %dma_start3A_42 = tpu.memref_slice %arg2[%mul3A_2] : memref<819200xi32, #tpu.memory_space<hbm>> -> memref<25600xi32, #tpu.memory_space<hbm>>
      tpu.enqueue_dma source(%dma_start3A_42 : memref<25600xi32, #tpu.memory_space<hbm>>) target(%arg5 : memref<25600xi32, #tpu.memory_space<vmem>>) target_semaphore(%run_scoped3A : memref<!tpu.dma_semaphore, #tpu.memory_space<semaphore_mem>>)
      %dma_wait3A_43 = tpu.memref_slice %arg2[%mul3A_2] : memref<819200xi32, #tpu.memory_space<hbm>> -> memref<25600xi32, #tpu.memory_space<hbm>>
      %dma_wait3A_44 = tpu.memref_slice %arg2[%mul3A_2] : memref<819200xi32, #tpu.memory_space<hbm>> -> memref<25600xi32, #tpu.memory_space<hbm>>
      tpu.wait_dma2 semaphore(%run_scoped3A : memref<!tpu.dma_semaphore, #tpu.memory_space<semaphore_mem>>) src(%dma_wait3A_44 : memref<25600xi32, #tpu.memory_space<hbm>>) dst(%arg5 : memref<25600xi32, #tpu.memory_space<vmem>>)
      tpu.yield
    }) : () -> ()
    %dma_start3A = arith.constant 0 : i32
    %dma_start3A_3 = tpu.memref_slice %arg5[%dma_start3A] : memref<25600xi32, #tpu.memory_space<vmem>> -> memref<128xi32, #tpu.memory_space<vmem>>
    %dma_start3A_4 = arith.constant 0 : i32
    %dma_start3A_5 = arith.constant 0 : i32
    %dma_start3A_6 = tpu.memref_slice %arg3[%dma_start3A_4, %dma_start3A_5] : memref<100000x128xf32, #tpu.memory_space<hbm>> -> memref<100000x128xf32, #tpu.memory_space<hbm>>
    tpu.enqueue_indirect_dma source(%dma_start3A_6 : memref<100000x128xf32, #tpu.memory_space<hbm>>) target(%arg6 : memref<128x128xf32, #tpu.memory_space<vmem>>) offsets(%dma_start3A_3 : memref<128xi32, #tpu.memory_space<vmem>>) semaphore(%arg11 : memref<!tpu.dma_semaphore, #tpu.memory_space<semaphore_mem>>)
    %dma_start3A_7 = arith.constant 128 : i32
    %dma_start3A_8 = tpu.memref_slice %arg5[%dma_start3A_7] : memref<25600xi32, #tpu.memory_space<vmem>> -> memref<128xi32, #tpu.memory_space<vmem>>
    %dma_start3A_9 = arith.constant 0 : i32
    %dma_start3A_10 = arith.constant 0 : i32
    %dma_start3A_11 = tpu.memref_slice %arg3[%dma_start3A_9, %dma_start3A_10] : memref<100000x128xf32, #tpu.memory_space<hbm>> -> memref<100000x128xf32, #tpu.memory_space<hbm>>
    tpu.enqueue_indirect_dma source(%dma_start3A_11 : memref<100000x128xf32, #tpu.memory_space<hbm>>) target(%arg7 : memref<128x128xf32, #tpu.memory_space<vmem>>) offsets(%dma_start3A_8 : memref<128xi32, #tpu.memory_space<vmem>>) semaphore(%arg12 : memref<!tpu.dma_semaphore, #tpu.memory_space<semaphore_mem>>)
    %dma_start3A_12 = arith.constant 256 : i32
    %dma_start3A_13 = tpu.memref_slice %arg5[%dma_start3A_12] : memref<25600xi32, #tpu.memory_space<vmem>> -> memref<128xi32, #tpu.memory_space<vmem>>
    %dma_start3A_14 = arith.constant 0 : i32
    %dma_start3A_15 = arith.constant 0 : i32
    %dma_start3A_16 = tpu.memref_slice %arg3[%dma_start3A_14, %dma_start3A_15] : memref<100000x128xf32, #tpu.memory_space<hbm>> -> memref<100000x128xf32, #tpu.memory_space<hbm>>
    tpu.enqueue_indirect_dma source(%dma_start3A_16 : memref<100000x128xf32, #tpu.memory_space<hbm>>) target(%arg8 : memref<128x128xf32, #tpu.memory_space<vmem>>) offsets(%dma_start3A_13 : memref<128xi32, #tpu.memory_space<vmem>>) semaphore(%arg13 : memref<!tpu.dma_semaphore, #tpu.memory_space<semaphore_mem>>)
    %scan3A = arith.constant 0 : i32
    %scan3A_17 = arith.constant 0 : i32
    %scan3A_18 = arith.constant 40 : i32
    %scan3A_19 = arith.addi %scan3A_17, %scan3A_18 : i32
    %scan3A_20 = arith.constant 1 : i32
    scf.for %scan3A_41 = %scan3A_17 to %scan3A_19 step %scan3A_20  : i32 {
      %mul3A_42 = arith.constant 5 : i32
      %mul3A_43 = arith.muli %mul3A_42, %scan3A_41 : i32
      %add3A_44 = arith.constant 0 : i32
      %add3A_45 = arith.addi %mul3A_43, %add3A_44 : i32
      %dma_wait3A_46 = arith.constant 0 : i32
      %dma_wait3A_47 = tpu.memref_slice %arg5[%dma_wait3A_46] : memref<25600xi32, #tpu.memory_space<vmem>> -> memref<128xi32, #tpu.memory_space<vmem>>
      %dma_wait3A_48 = arith.constant 0 : i32
      %dma_wait3A_49 = arith.constant 0 : i32
      %dma_wait3A_50 = tpu.memref_slice %arg3[%dma_wait3A_48, %dma_wait3A_49] : memref<100000x128xf32, #tpu.memory_space<hbm>> -> memref<100000x128xf32, #tpu.memory_space<hbm>>
      tpu.wait_indirect_dma semaphore(%arg11 : memref<!tpu.dma_semaphore, #tpu.memory_space<semaphore_mem>>) src(%dma_wait3A_50 : memref<100000x128xf32, #tpu.memory_space<hbm>>) dst(%arg6 : memref<128x128xf32, #tpu.memory_space<vmem>>)
      %add3A_51 = arith.constant 3 : i32
      %add3A_52 = arith.addi %add3A_45, %add3A_51 : i32
      %lt3A = arith.constant 200 : i32
      %lt3A_53 = arith.cmpi slt, %add3A_52, %lt3A : i32
      %convert_element_type3A = arith.extui %lt3A_53 : i1 to i32
      %cond3A = arith.constant 0 : i32
      %cond3A_54 = arith.cmpi ne, %convert_element_type3A, %cond3A : i32
      scf.if %cond3A_54 {
        %ge3A = arith.constant 2 : i32
        %ge3A_184 = arith.cmpi sge, %add3A_45, %ge3A : i32
        %convert_element_type3A_185 = arith.extui %ge3A_184 : i1 to i32
        %cond3A_186 = arith.constant 0 : i32
        %cond3A_187 = arith.cmpi ne, %convert_element_type3A_185, %cond3A_186 : i32
        scf.if %cond3A_187 {
          %dma_wait3A_196 = arith.constant 0 : i32
          %dma_wait3A_197 = tpu.memref_slice %arg4[%mul3A_2, %dma_wait3A_196] : memref<819200x128xf32, #tpu.memory_space<hbm>> -> memref<128x128xf32, #tpu.memory_space<hbm>>
          %dma_wait3A_198 = arith.constant 0 : i32
          %dma_wait3A_199 = tpu.memref_slice %arg4[%mul3A_2, %dma_wait3A_198] : memref<819200x128xf32, #tpu.memory_space<hbm>> -> memref<128x128xf32, #tpu.memory_space<hbm>>
          tpu.wait_dma2 semaphore(%arg19 : memref<!tpu.dma_semaphore, #tpu.memory_space<semaphore_mem>>) src(%arg9 : memref<128x128xf32, #tpu.memory_space<vmem>>) dst(%dma_wait3A_199 : memref<128x128xf32, #tpu.memory_space<hbm>>)
        } else {
        }
        %add3A_188 = arith.constant 3 : i32
        %add3A_189 = arith.addi %add3A_45, %add3A_188 : i32
        %mul3A_190 = arith.constant 128 : i32
        %mul3A_191 = arith.muli %add3A_189, %mul3A_190 : i32
        %dma_start3A_192 = tpu.memref_slice %arg5[%mul3A_191] : memref<25600xi32, #tpu.memory_space<vmem>> -> memref<128xi32, #tpu.memory_space<vmem>>
        %dma_start3A_193 = arith.constant 0 : i32
        %dma_start3A_194 = arith.constant 0 : i32
        %dma_start3A_195 = tpu.memref_slice %arg3[%dma_start3A_193, %dma_start3A_194] : memref<100000x128xf32, #tpu.memory_space<hbm>> -> memref<100000x128xf32, #tpu.memory_space<hbm>>
        tpu.enqueue_indirect_dma source(%dma_start3A_195 : memref<100000x128xf32, #tpu.memory_space<hbm>>) target(%arg9 : memref<128x128xf32, #tpu.memory_space<vmem>>) offsets(%dma_start3A_192 : memref<128xi32, #tpu.memory_space<vmem>>) semaphore(%arg14 : memref<!tpu.dma_semaphore, #tpu.memory_space<semaphore_mem>>)
      } else {
      }
      %scan3A_55 = arith.constant 0 : i32
      %scan3A_56 = arith.constant 0 : i32
      %scan3A_57 = arith.constant 128 : i32
      %scan3A_58 = arith.addi %scan3A_56, %scan3A_57 : i32
      %scan3A_59 = arith.constant 1 : i32
      scf.for %scan3A_184 = %scan3A_56 to %scan3A_58 step %scan3A_59  : i32 {
        %get3A = arith.index_cast %scan3A_184 : i32 to index
        %get3A_185 = arith.constant 0 : index
        %get3A_186 = tpu.vector_load %arg6[%get3A, %get3A_185] {strides = array<i32>} : memref<128x128xf32, #tpu.memory_space<vmem>>, vector<1x16xf32>,
        %get3A_187 = vector.shape_cast %get3A_186 : vector<1x16xf32> to vector<16xf32>
        %mul3A_188 = arith.constant 11.3137083 : f32
        %mul3A_189 = vector.broadcast %mul3A_188 : f32 to vector<16xf32>
        %mul3A_190 = arith.mulf %get3A_187, %mul3A_189 : vector<16xf32>
        %swap3A = arith.index_cast %scan3A_184 : i32 to index
        %swap3A_191 = arith.constant 0 : index
        %swap3A_192 = tpu.vector_load %arg6[%swap3A, %swap3A_191] {strides = array<i32>} : memref<128x128xf32, #tpu.memory_space<vmem>>, vector<1x16xf32>,
        %swap3A_193 = vector.shape_cast %swap3A_192 : vector<1x16xf32> to vector<16xf32>
        %swap3A_194 = vector.shape_cast %mul3A_190 : vector<16xf32> to vector<1x16xf32>
        tpu.vector_store %arg6[%swap3A, %swap3A_191], %swap3A_194 {strides = array<i32>} : memref<128x128xf32, #tpu.memory_space<vmem>>, vector<1x16xf32>,
        %get3A_195 = arith.index_cast %scan3A_184 : i32 to index
        %get3A_196 = arith.constant 16 : index
        %get3A_197 = tpu.vector_load %arg6[%get3A_195, %get3A_196] {strides = array<i32>} : memref<128x128xf32, #tpu.memory_space<vmem>>, vector<1x16xf32>,
        %get3A_198 = vector.shape_cast %get3A_197 : vector<1x16xf32> to vector<16xf32>
        %mul3A_199 = arith.constant 11.3137083 : f32
        %mul3A_200 = vector.broadcast %mul3A_199 : f32 to vector<16xf32>
        %mul3A_201 = arith.mulf %get3A_198, %mul3A_200 : vector<16xf32>
        %swap3A_202 = arith.index_cast %scan3A_184 : i32 to index
        %swap3A_203 = arith.constant 16 : index
        %swap3A_204 = tpu.vector_load %arg6[%swap3A_202, %swap3A_203] {strides = array<i32>} : memref<128x128xf32, #tpu.memory_space<vmem>>, vector<1x16xf32>,
        %swap3A_205 = vector.shape_cast %swap3A_204 : vector<1x16xf32> to vector<16xf32>
        %swap3A_206 = vector.shape_cast %mul3A_201 : vector<16xf32> to vector<1x16xf32>
        tpu.vector_store %arg6[%swap3A_202, %swap3A_203], %swap3A_206 {strides = array<i32>} : memref<128x128xf32, #tpu.memory_space<vmem>>, vector<1x16xf32>,
        %get3A_207 = arith.index_cast %scan3A_184 : i32 to index
        %get3A_208 = arith.constant 32 : index
        %get3A_209 = tpu.vector_load %arg6[%get3A_207, %get3A_208] {strides = array<i32>} : memref<128x128xf32, #tpu.memory_space<vmem>>, vector<1x16xf32>,
        %get3A_210 = vector.shape_cast %get3A_209 : vector<1x16xf32> to vector<16xf32>
        %mul3A_211 = arith.constant 11.3137083 : f32
        %mul3A_212 = vector.broadcast %mul3A_211 : f32 to vector<16xf32>
        %mul3A_213 = arith.mulf %get3A_210, %mul3A_212 : vector<16xf32>
        %swap3A_214 = arith.index_cast %scan3A_184 : i32 to index
        %swap3A_215 = arith.constant 32 : index
        %swap3A_216 = tpu.vector_load %arg6[%swap3A_214, %swap3A_215] {strides = array<i32>} : memref<128x128xf32, #tpu.memory_space<vmem>>, vector<1x16xf32>,
        %swap3A_217 = vector.shape_cast %swap3A_216 : vector<1x16xf32> to vector<16xf32>
        %swap3A_218 = vector.shape_cast %mul3A_213 : vector<16xf32> to vector<1x16xf32>
        tpu.vector_store %arg6[%swap3A_214, %swap3A_215], %swap3A_218 {strides = array<i32>} : memref<128x128xf32, #tpu.memory_space<vmem>>, vector<1x16xf32>,
        %get3A_219 = arith.index_cast %scan3A_184 : i32 to index
        %get3A_220 = arith.constant 48 : index
        %get3A_221 = tpu.vector_load %arg6[%get3A_219, %get3A_220] {strides = array<i32>} : memref<128x128xf32, #tpu.memory_space<vmem>>, vector<1x16xf32>,
        %get3A_222 = vector.shape_cast %get3A_221 : vector<1x16xf32> to vector<16xf32>
        %mul3A_223 = arith.constant 11.3137083 : f32
        %mul3A_224 = vector.broadcast %mul3A_223 : f32 to vector<16xf32>
        %mul3A_225 = arith.mulf %get3A_222, %mul3A_224 : vector<16xf32>
        %swap3A_226 = arith.index_cast %scan3A_184 : i32 to index
        %swap3A_227 = arith.constant 48 : index
        %swap3A_228 = tpu.vector_load %arg6[%swap3A_226, %swap3A_227] {strides = array<i32>} : memref<128x128xf32, #tpu.memory_space<vmem>>, vector<1x16xf32>,
        %swap3A_229 = vector.shape_cast %swap3A_228 : vector<1x16xf32> to vector<16xf32>
        %swap3A_230 = vector.shape_cast %mul3A_225 : vector<16xf32> to vector<1x16xf32>
        tpu.vector_store %arg6[%swap3A_226, %swap3A_227], %swap3A_230 {strides = array<i32>} : memref<128x128xf32, #tpu.memory_space<vmem>>, vector<1x16xf32>,
        %get3A_231 = arith.index_cast %scan3A_184 : i32 to index
        %get3A_232 = arith.constant 64 : index
        %get3A_233 = tpu.vector_load %arg6[%get3A_231, %get3A_232] {strides = array<i32>} : memref<128x128xf32, #tpu.memory_space<vmem>>, vector<1x16xf32>,
        %get3A_234 = vector.shape_cast %get3A_233 : vector<1x16xf32> to vector<16xf32>
        %mul3A_235 = arith.constant 11.3137083 : f32
        %mul3A_236 = vector.broadcast %mul3A_235 : f32 to vector<16xf32>
        %mul3A_237 = arith.mulf %get3A_234, %mul3A_236 : vector<16xf32>
        %swap3A_238 = arith.index_cast %scan3A_184 : i32 to index
        %swap3A_239 = arith.constant 64 : index
        %swap3A_240 = tpu.vector_load %arg6[%swap3A_238, %swap3A_239] {strides = array<i32>} : memref<128x128xf32, #tpu.memory_space<vmem>>, vector<1x16xf32>,
        %swap3A_241 = vector.shape_cast %swap3A_240 : vector<1x16xf32> to vector<16xf32>
        %swap3A_242 = vector.shape_cast %mul3A_237 : vector<16xf32> to vector<1x16xf32>
        tpu.vector_store %arg6[%swap3A_238, %swap3A_239], %swap3A_242 {strides = array<i32>} : memref<128x128xf32, #tpu.memory_space<vmem>>, vector<1x16xf32>,
        %get3A_243 = arith.index_cast %scan3A_184 : i32 to index
        %get3A_244 = arith.constant 80 : index
        %get3A_245 = tpu.vector_load %arg6[%get3A_243, %get3A_244] {strides = array<i32>} : memref<128x128xf32, #tpu.memory_space<vmem>>, vector<1x16xf32>,
        %get3A_246 = vector.shape_cast %get3A_245 : vector<1x16xf32> to vector<16xf32>
        %mul3A_247 = arith.constant 11.3137083 : f32
        %mul3A_248 = vector.broadcast %mul3A_247 : f32 to vector<16xf32>
        %mul3A_249 = arith.mulf %get3A_246, %mul3A_248 : vector<16xf32>
        %swap3A_250 = arith.index_cast %scan3A_184 : i32 to index
        %swap3A_251 = arith.constant 80 : index
        %swap3A_252 = tpu.vector_load %arg6[%swap3A_250, %swap3A_251] {strides = array<i32>} : memref<128x128xf32, #tpu.memory_space<vmem>>, vector<1x16xf32>,
        %swap3A_253 = vector.shape_cast %swap3A_252 : vector<1x16xf32> to vector<16xf32>
        %swap3A_254 = vector.shape_cast %mul3A_249 : vector<16xf32> to vector<1x16xf32>
        tpu.vector_store %arg6[%swap3A_250, %swap3A_251], %swap3A_254 {strides = array<i32>} : memref<128x128xf32, #tpu.memory_space<vmem>>, vector<1x16xf32>,
        %get3A_255 = arith.index_cast %scan3A_184 : i32 to index
        %get3A_256 = arith.constant 96 : index
        %get3A_257 = tpu.vector_load %arg6[%get3A_255, %get3A_256] {strides = array<i32>} : memref<128x128xf32, #tpu.memory_space<vmem>>, vector<1x16xf32>,
        %get3A_258 = vector.shape_cast %get3A_257 : vector<1x16xf32> to vector<16xf32>
        %mul3A_259 = arith.constant 11.3137083 : f32
        %mul3A_260 = vector.broadcast %mul3A_259 : f32 to vector<16xf32>
        %mul3A_261 = arith.mulf %get3A_258, %mul3A_260 : vector<16xf32>
        %swap3A_262 = arith.index_cast %scan3A_184 : i32 to index
        %swap3A_263 = arith.constant 96 : index
        %swap3A_264 = tpu.vector_load %arg6[%swap3A_262, %swap3A_263] {strides = array<i32>} : memref<128x128xf32, #tpu.memory_space<vmem>>, vector<1x16xf32>,
        %swap3A_265 = vector.shape_cast %swap3A_264 : vector<1x16xf32> to vector<16xf32>
        %swap3A_266 = vector.shape_cast %mul3A_261 : vector<16xf32> to vector<1x16xf32>
        tpu.vector_store %arg6[%swap3A_262, %swap3A_263], %swap3A_266 {strides = array<i32>} : memref<128x128xf32, #tpu.memory_space<vmem>>, vector<1x16xf32>,
        %get3A_267 = arith.index_cast %scan3A_184 : i32 to index
        %get3A_268 = arith.constant 112 : index
        %get3A_269 = tpu.vector_load %arg6[%get3A_267, %get3A_268] {strides = array<i32>} : memref<128x128xf32, #tpu.memory_space<vmem>>, vector<1x16xf32>,
        %get3A_270 = vector.shape_cast %get3A_269 : vector<1x16xf32> to vector<16xf32>
        %mul3A_271 = arith.constant 11.3137083 : f32
        %mul3A_272 = vector.broadcast %mul3A_271 : f32 to vector<16xf32>
        %mul3A_273 = arith.mulf %get3A_270, %mul3A_272 : vector<16xf32>
        %swap3A_274 = arith.index_cast %scan3A_184 : i32 to index
        %swap3A_275 = arith.constant 112 : index
        %swap3A_276 = tpu.vector_load %arg6[%swap3A_274, %swap3A_275] {strides = array<i32>} : memref<128x128xf32, #tpu.memory_space<vmem>>, vector<1x16xf32>,
        %swap3A_277 = vector.shape_cast %swap3A_276 : vector<1x16xf32> to vector<16xf32>
        %swap3A_278 = vector.shape_cast %mul3A_273 : vector<16xf32> to vector<1x16xf32>
        tpu.vector_store %arg6[%swap3A_274, %swap3A_275], %swap3A_278 {strides = array<i32>} : memref<128x128xf32, #tpu.memory_space<vmem>>, vector<1x16xf32>,
      }
      %scan3A_60 = arith.constant 128 : i32
      %mul3A_61 = arith.constant 128 : i32
      %mul3A_62 = arith.muli %add3A_45, %mul3A_61 : i32
      %add3A_63 = arith.addi %mul3A_2, %mul3A_62 : i32
      %dma_start3A_64 = arith.constant 0 : i32
      %dma_start3A_65 = tpu.memref_slice %arg4[%add3A_63, %dma_start3A_64] : memref<819200x128xf32, #tpu.memory_space<hbm>> -> memref<128x128xf32, #tpu.memory_space<hbm>>
      %dma_start3A_66 = arith.constant 0 : i32
      %dma_start3A_67 = tpu.memref_slice %arg4[%add3A_63, %dma_start3A_66] : memref<819200x128xf32, #tpu.memory_space<hbm>> -> memref<128x128xf32, #tpu.memory_space<hbm>>
      tpu.enqueue_dma source(%arg6 : memref<128x128xf32, #tpu.memory_space<vmem>>) target(%dma_start3A_67 : memref<128x128xf32, #tpu.memory_space<hbm>>) target_semaphore(%arg16 : memref<!tpu.dma_semaphore, #tpu.memory_space<semaphore_mem>>)
      %mul3A_68 = arith.constant 5 : i32
      %mul3A_69 = arith.muli %mul3A_68, %scan3A_41 : i32
      %add3A_70 = arith.constant 1 : i32
      %add3A_71 = arith.addi %mul3A_69, %add3A_70 : i32
      %dma_wait3A_72 = arith.constant 0 : i32
      %dma_wait3A_73 = tpu.memref_slice %arg5[%dma_wait3A_72] : memref<25600xi32, #tpu.memory_space<vmem>> -> memref<128xi32, #tpu.memory_space<vmem>>
      %dma_wait3A_74 = arith.constant 0 : i32
      %dma_wait3A_75 = arith.constant 0 : i32
      %dma_wait3A_76 = tpu.memref_slice %arg3[%dma_wait3A_74, %dma_wait3A_75] : memref<100000x128xf32, #tpu.memory_space<hbm>> -> memref<100000x128xf32, #tpu.memory_space<hbm>>
      tpu.wait_indirect_dma semaphore(%arg12 : memref<!tpu.dma_semaphore, #tpu.memory_space<semaphore_mem>>) src(%dma_wait3A_76 : memref<100000x128xf32, #tpu.memory_space<hbm>>) dst(%arg7 : memref<128x128xf32, #tpu.memory_space<vmem>>)
      %add3A_77 = arith.constant 3 : i32
      %add3A_78 = arith.addi %add3A_71, %add3A_77 : i32
      %lt3A_79 = arith.constant 200 : i32
      %lt3A_80 = arith.cmpi slt, %add3A_78, %lt3A_79 : i32
      %convert_element_type3A_81 = arith.extui %lt3A_80 : i1 to i32
      %cond3A_82 = arith.constant 0 : i32
      %cond3A_83 = arith.cmpi ne, %convert_element_type3A_81, %cond3A_82 : i32
      scf.if %cond3A_83 {
        %ge3A = arith.constant 2 : i32
        %ge3A_184 = arith.cmpi sge, %add3A_71, %ge3A : i32
        %convert_element_type3A_185 = arith.extui %ge3A_184 : i1 to i32
        %cond3A_186 = arith.constant 0 : i32
        %cond3A_187 = arith.cmpi ne, %convert_element_type3A_185, %cond3A_186 : i32
        scf.if %cond3A_187 {
          %dma_wait3A_196 = arith.constant 0 : i32
          %dma_wait3A_197 = tpu.memref_slice %arg4[%mul3A_2, %dma_wait3A_196] : memref<819200x128xf32, #tpu.memory_space<hbm>> -> memref<128x128xf32, #tpu.memory_space<hbm>>
          %dma_wait3A_198 = arith.constant 0 : i32
          %dma_wait3A_199 = tpu.memref_slice %arg4[%mul3A_2, %dma_wait3A_198] : memref<819200x128xf32, #tpu.memory_space<hbm>> -> memref<128x128xf32, #tpu.memory_space<hbm>>
          tpu.wait_dma2 semaphore(%arg20 : memref<!tpu.dma_semaphore, #tpu.memory_space<semaphore_mem>>) src(%arg10 : memref<128x128xf32, #tpu.memory_space<vmem>>) dst(%dma_wait3A_199 : memref<128x128xf32, #tpu.memory_space<hbm>>)
        } else {
        }
        %add3A_188 = arith.constant 3 : i32
        %add3A_189 = arith.addi %add3A_71, %add3A_188 : i32
        %mul3A_190 = arith.constant 128 : i32
        %mul3A_191 = arith.muli %add3A_189, %mul3A_190 : i32
        %dma_start3A_192 = tpu.memref_slice %arg5[%mul3A_191] : memref<25600xi32, #tpu.memory_space<vmem>> -> memref<128xi32, #tpu.memory_space<vmem>>
        %dma_start3A_193 = arith.constant 0 : i32
        %dma_start3A_194 = arith.constant 0 : i32
        %dma_start3A_195 = tpu.memref_slice %arg3[%dma_start3A_193, %dma_start3A_194] : memref<100000x128xf32, #tpu.memory_space<hbm>> -> memref<100000x128xf32, #tpu.memory_space<hbm>>
        tpu.enqueue_indirect_dma source(%dma_start3A_195 : memref<100000x128xf32, #tpu.memory_space<hbm>>) target(%arg10 : memref<128x128xf32, #tpu.memory_space<vmem>>) offsets(%dma_start3A_192 : memref<128xi32, #tpu.memory_space<vmem>>) semaphore(%arg15 : memref<!tpu.dma_semaphore, #tpu.memory_space<semaphore_mem>>)
      } else {
      }
      %scan3A_84 = arith.constant 0 : i32
      %scan3A_85 = arith.constant 0 : i32
      %scan3A_86 = arith.constant 128 : i32
      %scan3A_87 = arith.addi %scan3A_85, %scan3A_86 : i32
      %scan3A_88 = arith.constant 1 : i32
      scf.for %scan3A_184 = %scan3A_85 to %scan3A_87 step %scan3A_88  : i32 {
        %get3A = arith.index_cast %scan3A_184 : i32 to index
        %get3A_185 = arith.constant 0 : index
        %get3A_186 = tpu.vector_load %arg7[%get3A, %get3A_185] {strides = array<i32>} : memref<128x128xf32, #tpu.memory_space<vmem>>, vector<1x16xf32>,
        %get3A_187 = vector.shape_cast %get3A_186 : vector<1x16xf32> to vector<16xf32>
        %mul3A_188 = arith.constant 11.3137083 : f32
        %mul3A_189 = vector.broadcast %mul3A_188 : f32 to vector<16xf32>
        %mul3A_190 = arith.mulf %get3A_187, %mul3A_189 : vector<16xf32>
        %swap3A = arith.index_cast %scan3A_184 : i32 to index
        %swap3A_191 = arith.constant 0 : index
        %swap3A_192 = tpu.vector_load %arg7[%swap3A, %swap3A_191] {strides = array<i32>} : memref<128x128xf32, #tpu.memory_space<vmem>>, vector<1x16xf32>,
        %swap3A_193 = vector.shape_cast %swap3A_192 : vector<1x16xf32> to vector<16xf32>
        %swap3A_194 = vector.shape_cast %mul3A_190 : vector<16xf32> to vector<1x16xf32>
        tpu.vector_store %arg7[%swap3A, %swap3A_191], %swap3A_194 {strides = array<i32>} : memref<128x128xf32, #tpu.memory_space<vmem>>, vector<1x16xf32>,
        %get3A_195 = arith.index_cast %scan3A_184 : i32 to index
        %get3A_196 = arith.constant 16 : index
        %get3A_197 = tpu.vector_load %arg7[%get3A_195, %get3A_196] {strides = array<i32>} : memref<128x128xf32, #tpu.memory_space<vmem>>, vector<1x16xf32>,
        %get3A_198 = vector.shape_cast %get3A_197 : vector<1x16xf32> to vector<16xf32>
        %mul3A_199 = arith.constant 11.3137083 : f32
        %mul3A_200 = vector.broadcast %mul3A_199 : f32 to vector<16xf32>
        %mul3A_201 = arith.mulf %get3A_198, %mul3A_200 : vector<16xf32>
        %swap3A_202 = arith.index_cast %scan3A_184 : i32 to index
        %swap3A_203 = arith.constant 16 : index
        %swap3A_204 = tpu.vector_load %arg7[%swap3A_202, %swap3A_203] {strides = array<i32>} : memref<128x128xf32, #tpu.memory_space<vmem>>, vector<1x16xf32>,
        %swap3A_205 = vector.shape_cast %swap3A_204 : vector<1x16xf32> to vector<16xf32>
        %swap3A_206 = vector.shape_cast %mul3A_201 : vector<16xf32> to vector<1x16xf32>
        tpu.vector_store %arg7[%swap3A_202, %swap3A_203], %swap3A_206 {strides = array<i32>} : memref<128x128xf32, #tpu.memory_space<vmem>>, vector<1x16xf32>,
        %get3A_207 = arith.index_cast %scan3A_184 : i32 to index
        %get3A_208 = arith.constant 32 : index
        %get3A_209 = tpu.vector_load %arg7[%get3A_207, %get3A_208] {strides = array<i32>} : memref<128x128xf32, #tpu.memory_space<vmem>>, vector<1x16xf32>,
        %get3A_210 = vector.shape_cast %get3A_209 : vector<1x16xf32> to vector<16xf32>
        %mul3A_211 = arith.constant 11.3137083 : f32
        %mul3A_212 = vector.broadcast %mul3A_211 : f32 to vector<16xf32>
        %mul3A_213 = arith.mulf %get3A_210, %mul3A_212 : vector<16xf32>
        %swap3A_214 = arith.index_cast %scan3A_184 : i32 to index
        %swap3A_215 = arith.constant 32 : index
        %swap3A_216 = tpu.vector_load %arg7[%swap3A_214, %swap3A_215] {strides = array<i32>} : memref<128x128xf32, #tpu.memory_space<vmem>>, vector<1x16xf32>,
        %swap3A_217 = vector.shape_cast %swap3A_216 : vector<1x16xf32> to vector<16xf32>
        %swap3A_218 = vector.shape_cast %mul3A_213 : vector<16xf32> to vector<1x16xf32>
        tpu.vector_store %arg7[%swap3A_214, %swap3A_215], %swap3A_218 {strides = array<i32>} : memref<128x128xf32, #tpu.memory_space<vmem>>, vector<1x16xf32>,
        %get3A_219 = arith.index_cast %scan3A_184 : i32 to index
        %get3A_220 = arith.constant 48 : index
        %get3A_221 = tpu.vector_load %arg7[%get3A_219, %get3A_220] {strides = array<i32>} : memref<128x128xf32, #tpu.memory_space<vmem>>, vector<1x16xf32>,
        %get3A_222 = vector.shape_cast %get3A_221 : vector<1x16xf32> to vector<16xf32>
        %mul3A_223 = arith.constant 11.3137083 : f32
        %mul3A_224 = vector.broadcast %mul3A_223 : f32 to vector<16xf32>
        %mul3A_225 = arith.mulf %get3A_222, %mul3A_224 : vector<16xf32>
        %swap3A_226 = arith.index_cast %scan3A_184 : i32 to index
        %swap3A_227 = arith.constant 48 : index
        %swap3A_228 = tpu.vector_load %arg7[%swap3A_226, %swap3A_227] {strides = array<i32>} : memref<128x128xf32, #tpu.memory_space<vmem>>, vector<1x16xf32>,
        %swap3A_229 = vector.shape_cast %swap3A_228 : vector<1x16xf32> to vector<16xf32>
        %swap3A_230 = vector.shape_cast %mul3A_225 : vector<16xf32> to vector<1x16xf32>
        tpu.vector_store %arg7[%swap3A_226, %swap3A_227], %swap3A_230 {strides = array<i32>} : memref<128x128xf32, #tpu.memory_space<vmem>>, vector<1x16xf32>,
        %get3A_231 = arith.index_cast %scan3A_184 : i32 to index
        %get3A_232 = arith.constant 64 : index
        %get3A_233 = tpu.vector_load %arg7[%get3A_231, %get3A_232] {strides = array<i32>} : memref<128x128xf32, #tpu.memory_space<vmem>>, vector<1x16xf32>,
        %get3A_234 = vector.shape_cast %get3A_233 : vector<1x16xf32> to vector<16xf32>
        %mul3A_235 = arith.constant 11.3137083 : f32
        %mul3A_236 = vector.broadcast %mul3A_235 : f32 to vector<16xf32>
        %mul3A_237 = arith.mulf %get3A_234, %mul3A_236 : vector<16xf32>
        %swap3A_238 = arith.index_cast %scan3A_184 : i32 to index
        %swap3A_239 = arith.constant 64 : index
        %swap3A_240 = tpu.vector_load %arg7[%swap3A_238, %swap3A_239] {strides = array<i32>} : memref<128x128xf32, #tpu.memory_space<vmem>>, vector<1x16xf32>,
        %swap3A_241 = vector.shape_cast %swap3A_240 : vector<1x16xf32> to vector<16xf32>
        %swap3A_242 = vector.shape_cast %mul3A_237 : vector<16xf32> to vector<1x16xf32>
        tpu.vector_store %arg7[%swap3A_238, %swap3A_239], %swap3A_242 {strides = array<i32>} : memref<128x128xf32, #tpu.memory_space<vmem>>, vector<1x16xf32>,
        %get3A_243 = arith.index_cast %scan3A_184 : i32 to index
        %get3A_244 = arith.constant 80 : index
        %get3A_245 = tpu.vector_load %arg7[%get3A_243, %get3A_244] {strides = array<i32>} : memref<128x128xf32, #tpu.memory_space<vmem>>, vector<1x16xf32>,
        %get3A_246 = vector.shape_cast %get3A_245 : vector<1x16xf32> to vector<16xf32>
        %mul3A_247 = arith.constant 11.3137083 : f32
        %mul3A_248 = vector.broadcast %mul3A_247 : f32 to vector<16xf32>
        %mul3A_249 = arith.mulf %get3A_246, %mul3A_248 : vector<16xf32>
        %swap3A_250 = arith.index_cast %scan3A_184 : i32 to index
        %swap3A_251 = arith.constant 80 : index
        %swap3A_252 = tpu.vector_load %arg7[%swap3A_250, %swap3A_251] {strides = array<i32>} : memref<128x128xf32, #tpu.memory_space<vmem>>, vector<1x16xf32>,
        %swap3A_253 = vector.shape_cast %swap3A_252 : vector<1x16xf32> to vector<16xf32>
        %swap3A_254 = vector.shape_cast %mul3A_249 : vector<16xf32> to vector<1x16xf32>
        tpu.vector_store %arg7[%swap3A_250, %swap3A_251], %swap3A_254 {strides = array<i32>} : memref<128x128xf32, #tpu.memory_space<vmem>>, vector<1x16xf32>,
        %get3A_255 = arith.index_cast %scan3A_184 : i32 to index
        %get3A_256 = arith.constant 96 : index
        %get3A_257 = tpu.vector_load %arg7[%get3A_255, %get3A_256] {strides = array<i32>} : memref<128x128xf32, #tpu.memory_space<vmem>>, vector<1x16xf32>,
        %get3A_258 = vector.shape_cast %get3A_257 : vector<1x16xf32> to vector<16xf32>
        %mul3A_259 = arith.constant 11.3137083 : f32
        %mul3A_260 = vector.broadcast %mul3A_259 : f32 to vector<16xf32>
        %mul3A_261 = arith.mulf %get3A_258, %mul3A_260 : vector<16xf32>
        %swap3A_262 = arith.index_cast %scan3A_184 : i32 to index
        %swap3A_263 = arith.constant 96 : index
        %swap3A_264 = tpu.vector_load %arg7[%swap3A_262, %swap3A_263] {strides = array<i32>} : memref<128x128xf32, #tpu.memory_space<vmem>>, vector<1x16xf32>,
        %swap3A_265 = vector.shape_cast %swap3A_264 : vector<1x16xf32> to vector<16xf32>
        %swap3A_266 = vector.shape_cast %mul3A_261 : vector<16xf32> to vector<1x16xf32>
        tpu.vector_store %arg7[%swap3A_262, %swap3A_263], %swap3A_266 {strides = array<i32>} : memref<128x128xf32, #tpu.memory_space<vmem>>, vector<1x16xf32>,
        %get3A_267 = arith.index_cast %scan3A_184 : i32 to index
        %get3A_268 = arith.constant 112 : index
        %get3A_269 = tpu.vector_load %arg7[%get3A_267, %get3A_268] {strides = array<i32>} : memref<128x128xf32, #tpu.memory_space<vmem>>, vector<1x16xf32>,
        %get3A_270 = vector.shape_cast %get3A_269 : vector<1x16xf32> to vector<16xf32>
        %mul3A_271 = arith.constant 11.3137083 : f32
        %mul3A_272 = vector.broadcast %mul3A_271 : f32 to vector<16xf32>
        %mul3A_273 = arith.mulf %get3A_270, %mul3A_272 : vector<16xf32>
        %swap3A_274 = arith.index_cast %scan3A_184 : i32 to index
        %swap3A_275 = arith.constant 112 : index
        %swap3A_276 = tpu.vector_load %arg7[%swap3A_274, %swap3A_275] {strides = array<i32>} : memref<128x128xf32, #tpu.memory_space<vmem>>, vector<1x16xf32>,
        %swap3A_277 = vector.shape_cast %swap3A_276 : vector<1x16xf32> to vector<16xf32>
        %swap3A_278 = vector.shape_cast %mul3A_273 : vector<16xf32> to vector<1x16xf32>
        tpu.vector_store %arg7[%swap3A_274, %swap3A_275], %swap3A_278 {strides = array<i32>} : memref<128x128xf32, #tpu.memory_space<vmem>>, vector<1x16xf32>,
      }
      %scan3A_89 = arith.constant 128 : i32
      %mul3A_90 = arith.constant 128 : i32
      %mul3A_91 = arith.muli %add3A_71, %mul3A_90 : i32
      %add3A_92 = arith.addi %mul3A_2, %mul3A_91 : i32
      %dma_start3A_93 = arith.constant 0 : i32
      %dma_start3A_94 = tpu.memref_slice %arg4[%add3A_92, %dma_start3A_93] : memref<819200x128xf32, #tpu.memory_space<hbm>> -> memref<128x128xf32, #tpu.memory_space<hbm>>
      %dma_start3A_95 = arith.constant 0 : i32
      %dma_start3A_96 = tpu.memref_slice %arg4[%add3A_92, %dma_start3A_95] : memref<819200x128xf32, #tpu.memory_space<hbm>> -> memref<128x128xf32, #tpu.memory_space<hbm>>
      tpu.enqueue_dma source(%arg7 : memref<128x128xf32, #tpu.memory_space<vmem>>) target(%dma_start3A_96 : memref<128x128xf32, #tpu.memory_space<hbm>>) target_semaphore(%arg17 : memref<!tpu.dma_semaphore, #tpu.memory_space<semaphore_mem>>)
      %mul3A_97 = arith.constant 5 : i32
      %mul3A_98 = arith.muli %mul3A_97, %scan3A_41 : i32
      %add3A_99 = arith.constant 2 : i32
      %add3A_100 = arith.addi %mul3A_98, %add3A_99 : i32
      %dma_wait3A_101 = arith.constant 0 : i32
      %dma_wait3A_102 = tpu.memref_slice %arg5[%dma_wait3A_101] : memref<25600xi32, #tpu.memory_space<vmem>> -> memref<128xi32, #tpu.memory_space<vmem>>
      %dma_wait3A_103 = arith.constant 0 : i32
      %dma_wait3A_104 = arith.constant 0 : i32
      %dma_wait3A_105 = tpu.memref_slice %arg3[%dma_wait3A_103, %dma_wait3A_104] : memref<100000x128xf32, #tpu.memory_space<hbm>> -> memref<100000x128xf32, #tpu.memory_space<hbm>>
      tpu.wait_indirect_dma semaphore(%arg13 : memref<!tpu.dma_semaphore, #tpu.memory_space<semaphore_mem>>) src(%dma_wait3A_105 : memref<100000x128xf32, #tpu.memory_space<hbm>>) dst(%arg8 : memref<128x128xf32, #tpu.memory_space<vmem>>)
      %add3A_106 = arith.constant 3 : i32
      %add3A_107 = arith.addi %add3A_100, %add3A_106 : i32
      %lt3A_108 = arith.constant 200 : i32
      %lt3A_109 = arith.cmpi slt, %add3A_107, %lt3A_108 : i32
      %convert_element_type3A_110 = arith.extui %lt3A_109 : i1 to i32
      %cond3A_111 = arith.constant 0 : i32
      %cond3A_112 = arith.cmpi ne, %convert_element_type3A_110, %cond3A_111 : i32
      scf.if %cond3A_112 {
        %ge3A = arith.constant 2 : i32
        %ge3A_184 = arith.cmpi sge, %add3A_100, %ge3A : i32
        %convert_element_type3A_185 = arith.extui %ge3A_184 : i1 to i32
        %cond3A_186 = arith.constant 0 : i32
        %cond3A_187 = arith.cmpi ne, %convert_element_type3A_185, %cond3A_186 : i32
        scf.if %cond3A_187 {
          %dma_wait3A_196 = arith.constant 0 : i32
          %dma_wait3A_197 = tpu.memref_slice %arg4[%mul3A_2, %dma_wait3A_196] : memref<819200x128xf32, #tpu.memory_space<hbm>> -> memref<128x128xf32, #tpu.memory_space<hbm>>
          %dma_wait3A_198 = arith.constant 0 : i32
          %dma_wait3A_199 = tpu.memref_slice %arg4[%mul3A_2, %dma_wait3A_198] : memref<819200x128xf32, #tpu.memory_space<hbm>> -> memref<128x128xf32, #tpu.memory_space<hbm>>
          tpu.wait_dma2 semaphore(%arg16 : memref<!tpu.dma_semaphore, #tpu.memory_space<semaphore_mem>>) src(%arg6 : memref<128x128xf32, #tpu.memory_space<vmem>>) dst(%dma_wait3A_199 : memref<128x128xf32, #tpu.memory_space<hbm>>)
        } else {
        }
        %add3A_188 = arith.constant 3 : i32
        %add3A_189 = arith.addi %add3A_100, %add3A_188 : i32
        %mul3A_190 = arith.constant 128 : i32
        %mul3A_191 = arith.muli %add3A_189, %mul3A_190 : i32
        %dma_start3A_192 = tpu.memref_slice %arg5[%mul3A_191] : memref<25600xi32, #tpu.memory_space<vmem>> -> memref<128xi32, #tpu.memory_space<vmem>>
        %dma_start3A_193 = arith.constant 0 : i32
        %dma_start3A_194 = arith.constant 0 : i32
        %dma_start3A_195 = tpu.memref_slice %arg3[%dma_start3A_193, %dma_start3A_194] : memref<100000x128xf32, #tpu.memory_space<hbm>> -> memref<100000x128xf32, #tpu.memory_space<hbm>>
        tpu.enqueue_indirect_dma source(%dma_start3A_195 : memref<100000x128xf32, #tpu.memory_space<hbm>>) target(%arg6 : memref<128x128xf32, #tpu.memory_space<vmem>>) offsets(%dma_start3A_192 : memref<128xi32, #tpu.memory_space<vmem>>) semaphore(%arg11 : memref<!tpu.dma_semaphore, #tpu.memory_space<semaphore_mem>>)
      } else {
      }
      %scan3A_113 = arith.constant 0 : i32
      %scan3A_114 = arith.constant 0 : i32
      %scan3A_115 = arith.constant 128 : i32
      %scan3A_116 = arith.addi %scan3A_114, %scan3A_115 : i32
      %scan3A_117 = arith.constant 1 : i32
      scf.for %scan3A_184 = %scan3A_114 to %scan3A_116 step %scan3A_117  : i32 {
        %get3A = arith.index_cast %scan3A_184 : i32 to index
        %get3A_185 = arith.constant 0 : index
        %get3A_186 = tpu.vector_load %arg8[%get3A, %get3A_185] {strides = array<i32>} : memref<128x128xf32, #tpu.memory_space<vmem>>, vector<1x16xf32>,
        %get3A_187 = vector.shape_cast %get3A_186 : vector<1x16xf32> to vector<16xf32>
        %mul3A_188 = arith.constant 11.3137083 : f32
        %mul3A_189 = vector.broadcast %mul3A_188 : f32 to vector<16xf32>
        %mul3A_190 = arith.mulf %get3A_187, %mul3A_189 : vector<16xf32>
        %swap3A = arith.index_cast %scan3A_184 : i32 to index
        %swap3A_191 = arith.constant 0 : index
        %swap3A_192 = tpu.vector_load %arg8[%swap3A, %swap3A_191] {strides = array<i32>} : memref<128x128xf32, #tpu.memory_space<vmem>>, vector<1x16xf32>,
        %swap3A_193 = vector.shape_cast %swap3A_192 : vector<1x16xf32> to vector<16xf32>
        %swap3A_194 = vector.shape_cast %mul3A_190 : vector<16xf32> to vector<1x16xf32>
        tpu.vector_store %arg8[%swap3A, %swap3A_191], %swap3A_194 {strides = array<i32>} : memref<128x128xf32, #tpu.memory_space<vmem>>, vector<1x16xf32>,
        %get3A_195 = arith.index_cast %scan3A_184 : i32 to index
        %get3A_196 = arith.constant 16 : index
        %get3A_197 = tpu.vector_load %arg8[%get3A_195, %get3A_196] {strides = array<i32>} : memref<128x128xf32, #tpu.memory_space<vmem>>, vector<1x16xf32>,
        %get3A_198 = vector.shape_cast %get3A_197 : vector<1x16xf32> to vector<16xf32>
        %mul3A_199 = arith.constant 11.3137083 : f32
        %mul3A_200 = vector.broadcast %mul3A_199 : f32 to vector<16xf32>
        %mul3A_201 = arith.mulf %get3A_198, %mul3A_200 : vector<16xf32>
        %swap3A_202 = arith.index_cast %scan3A_184 : i32 to index
        %swap3A_203 = arith.constant 16 : index
        %swap3A_204 = tpu.vector_load %arg8[%swap3A_202, %swap3A_203] {strides = array<i32>} : memref<128x128xf32, #tpu.memory_space<vmem>>, vector<1x16xf32>,
        %swap3A_205 = vector.shape_cast %swap3A_204 : vector<1x16xf32> to vector<16xf32>
        %swap3A_206 = vector.shape_cast %mul3A_201 : vector<16xf32> to vector<1x16xf32>
        tpu.vector_store %arg8[%swap3A_202, %swap3A_203], %swap3A_206 {strides = array<i32>} : memref<128x128xf32, #tpu.memory_space<vmem>>, vector<1x16xf32>,
        %get3A_207 = arith.index_cast %scan3A_184 : i32 to index
        %get3A_208 = arith.constant 32 : index
        %get3A_209 = tpu.vector_load %arg8[%get3A_207, %get3A_208] {strides = array<i32>} : memref<128x128xf32, #tpu.memory_space<vmem>>, vector<1x16xf32>,
        %get3A_210 = vector.shape_cast %get3A_209 : vector<1x16xf32> to vector<16xf32>
        %mul3A_211 = arith.constant 11.3137083 : f32
        %mul3A_212 = vector.broadcast %mul3A_211 : f32 to vector<16xf32>
        %mul3A_213 = arith.mulf %get3A_210, %mul3A_212 : vector<16xf32>
        %swap3A_214 = arith.index_cast %scan3A_184 : i32 to index
        %swap3A_215 = arith.constant 32 : index
        %swap3A_216 = tpu.vector_load %arg8[%swap3A_214, %swap3A_215] {strides = array<i32>} : memref<128x128xf32, #tpu.memory_space<vmem>>, vector<1x16xf32>,
        %swap3A_217 = vector.shape_cast %swap3A_216 : vector<1x16xf32> to vector<16xf32>
        %swap3A_218 = vector.shape_cast %mul3A_213 : vector<16xf32> to vector<1x16xf32>
        tpu.vector_store %arg8[%swap3A_214, %swap3A_215], %swap3A_218 {strides = array<i32>} : memref<128x128xf32, #tpu.memory_space<vmem>>, vector<1x16xf32>,
        %get3A_219 = arith.index_cast %scan3A_184 : i32 to index
        %get3A_220 = arith.constant 48 : index
        %get3A_221 = tpu.vector_load %arg8[%get3A_219, %get3A_220] {strides = array<i32>} : memref<128x128xf32, #tpu.memory_space<vmem>>, vector<1x16xf32>,
        %get3A_222 = vector.shape_cast %get3A_221 : vector<1x16xf32> to vector<16xf32>
        %mul3A_223 = arith.constant 11.3137083 : f32
        %mul3A_224 = vector.broadcast %mul3A_223 : f32 to vector<16xf32>
        %mul3A_225 = arith.mulf %get3A_222, %mul3A_224 : vector<16xf32>
        %swap3A_226 = arith.index_cast %scan3A_184 : i32 to index
        %swap3A_227 = arith.constant 48 : index
        %swap3A_228 = tpu.vector_load %arg8[%swap3A_226, %swap3A_227] {strides = array<i32>} : memref<128x128xf32, #tpu.memory_space<vmem>>, vector<1x16xf32>,
        %swap3A_229 = vector.shape_cast %swap3A_228 : vector<1x16xf32> to vector<16xf32>
        %swap3A_230 = vector.shape_cast %mul3A_225 : vector<16xf32> to vector<1x16xf32>
        tpu.vector_store %arg8[%swap3A_226, %swap3A_227], %swap3A_230 {strides = array<i32>} : memref<128x128xf32, #tpu.memory_space<vmem>>, vector<1x16xf32>,
        %get3A_231 = arith.index_cast %scan3A_184 : i32 to index
        %get3A_232 = arith.constant 64 : index
        %get3A_233 = tpu.vector_load %arg8[%get3A_231, %get3A_232] {strides = array<i32>} : memref<128x128xf32, #tpu.memory_space<vmem>>, vector<1x16xf32>,
        %get3A_234 = vector.shape_cast %get3A_233 : vector<1x16xf32> to vector<16xf32>
        %mul3A_235 = arith.constant 11.3137083 : f32
        %mul3A_236 = vector.broadcast %mul3A_235 : f32 to vector<16xf32>
        %mul3A_237 = arith.mulf %get3A_234, %mul3A_236 : vector<16xf32>
        %swap3A_238 = arith.index_cast %scan3A_184 : i32 to index
        %swap3A_239 = arith.constant 64 : index
        %swap3A_240 = tpu.vector_load %arg8[%swap3A_238, %swap3A_239] {strides = array<i32>} : memref<128x128xf32, #tpu.memory_space<vmem>>, vector<1x16xf32>,
        %swap3A_241 = vector.shape_cast %swap3A_240 : vector<1x16xf32> to vector<16xf32>
        %swap3A_242 = vector.shape_cast %mul3A_237 : vector<16xf32> to vector<1x16xf32>
        tpu.vector_store %arg8[%swap3A_238, %swap3A_239], %swap3A_242 {strides = array<i32>} : memref<128x128xf32, #tpu.memory_space<vmem>>, vector<1x16xf32>,
        %get3A_243 = arith.index_cast %scan3A_184 : i32 to index
        %get3A_244 = arith.constant 80 : index
        %get3A_245 = tpu.vector_load %arg8[%get3A_243, %get3A_244] {strides = array<i32>} : memref<128x128xf32, #tpu.memory_space<vmem>>, vector<1x16xf32>,
        %get3A_246 = vector.shape_cast %get3A_245 : vector<1x16xf32> to vector<16xf32>
        %mul3A_247 = arith.constant 11.3137083 : f32
        %mul3A_248 = vector.broadcast %mul3A_247 : f32 to vector<16xf32>
        %mul3A_249 = arith.mulf %get3A_246, %mul3A_248 : vector<16xf32>
        %swap3A_250 = arith.index_cast %scan3A_184 : i32 to index
        %swap3A_251 = arith.constant 80 : index
        %swap3A_252 = tpu.vector_load %arg8[%swap3A_250, %swap3A_251] {strides = array<i32>} : memref<128x128xf32, #tpu.memory_space<vmem>>, vector<1x16xf32>,
        %swap3A_253 = vector.shape_cast %swap3A_252 : vector<1x16xf32> to vector<16xf32>
        %swap3A_254 = vector.shape_cast %mul3A_249 : vector<16xf32> to vector<1x16xf32>
        tpu.vector_store %arg8[%swap3A_250, %swap3A_251], %swap3A_254 {strides = array<i32>} : memref<128x128xf32, #tpu.memory_space<vmem>>, vector<1x16xf32>,
        %get3A_255 = arith.index_cast %scan3A_184 : i32 to index
        %get3A_256 = arith.constant 96 : index
        %get3A_257 = tpu.vector_load %arg8[%get3A_255, %get3A_256] {strides = array<i32>} : memref<128x128xf32, #tpu.memory_space<vmem>>, vector<1x16xf32>,
        %get3A_258 = vector.shape_cast %get3A_257 : vector<1x16xf32> to vector<16xf32>
        %mul3A_259 = arith.constant 11.3137083 : f32
        %mul3A_260 = vector.broadcast %mul3A_259 : f32 to vector<16xf32>
        %mul3A_261 = arith.mulf %get3A_258, %mul3A_260 : vector<16xf32>
        %swap3A_262 = arith.index_cast %scan3A_184 : i32 to index
        %swap3A_263 = arith.constant 96 : index
        %swap3A_264 = tpu.vector_load %arg8[%swap3A_262, %swap3A_263] {strides = array<i32>} : memref<128x128xf32, #tpu.memory_space<vmem>>, vector<1x16xf32>,
        %swap3A_265 = vector.shape_cast %swap3A_264 : vector<1x16xf32> to vector<16xf32>
        %swap3A_266 = vector.shape_cast %mul3A_261 : vector<16xf32> to vector<1x16xf32>
        tpu.vector_store %arg8[%swap3A_262, %swap3A_263], %swap3A_266 {strides = array<i32>} : memref<128x128xf32, #tpu.memory_space<vmem>>, vector<1x16xf32>,
        %get3A_267 = arith.index_cast %scan3A_184 : i32 to index
        %get3A_268 = arith.constant 112 : index
        %get3A_269 = tpu.vector_load %arg8[%get3A_267, %get3A_268] {strides = array<i32>} : memref<128x128xf32, #tpu.memory_space<vmem>>, vector<1x16xf32>,
        %get3A_270 = vector.shape_cast %get3A_269 : vector<1x16xf32> to vector<16xf32>
        %mul3A_271 = arith.constant 11.3137083 : f32
        %mul3A_272 = vector.broadcast %mul3A_271 : f32 to vector<16xf32>
        %mul3A_273 = arith.mulf %get3A_270, %mul3A_272 : vector<16xf32>
        %swap3A_274 = arith.index_cast %scan3A_184 : i32 to index
        %swap3A_275 = arith.constant 112 : index
        %swap3A_276 = tpu.vector_load %arg8[%swap3A_274, %swap3A_275] {strides = array<i32>} : memref<128x128xf32, #tpu.memory_space<vmem>>, vector<1x16xf32>,
        %swap3A_277 = vector.shape_cast %swap3A_276 : vector<1x16xf32> to vector<16xf32>
        %swap3A_278 = vector.shape_cast %mul3A_273 : vector<16xf32> to vector<1x16xf32>
        tpu.vector_store %arg8[%swap3A_274, %swap3A_275], %swap3A_278 {strides = array<i32>} : memref<128x128xf32, #tpu.memory_space<vmem>>, vector<1x16xf32>,
      }
      %scan3A_118 = arith.constant 128 : i32
      %mul3A_119 = arith.constant 128 : i32
      %mul3A_120 = arith.muli %add3A_100, %mul3A_119 : i32
      %add3A_121 = arith.addi %mul3A_2, %mul3A_120 : i32
      %dma_start3A_122 = arith.constant 0 : i32
      %dma_start3A_123 = tpu.memref_slice %arg4[%add3A_121, %dma_start3A_122] : memref<819200x128xf32, #tpu.memory_space<hbm>> -> memref<128x128xf32, #tpu.memory_space<hbm>>
      %dma_start3A_124 = arith.constant 0 : i32
      %dma_start3A_125 = tpu.memref_slice %arg4[%add3A_121, %dma_start3A_124] : memref<819200x128xf32, #tpu.memory_space<hbm>> -> memref<128x128xf32, #tpu.memory_space<hbm>>
      tpu.enqueue_dma source(%arg8 : memref<128x128xf32, #tpu.memory_space<vmem>>) target(%dma_start3A_125 : memref<128x128xf32, #tpu.memory_space<hbm>>) target_semaphore(%arg18 : memref<!tpu.dma_semaphore, #tpu.memory_space<semaphore_mem>>)
      %mul3A_126 = arith.constant 5 : i32
      %mul3A_127 = arith.muli %mul3A_126, %scan3A_41 : i32
      %add3A_128 = arith.constant 3 : i32
      %add3A_129 = arith.addi %mul3A_127, %add3A_128 : i32
      %dma_wait3A_130 = arith.constant 0 : i32
      %dma_wait3A_131 = tpu.memref_slice %arg5[%dma_wait3A_130] : memref<25600xi32, #tpu.memory_space<vmem>> -> memref<128xi32, #tpu.memory_space<vmem>>
      %dma_wait3A_132 = arith.constant 0 : i32
      %dma_wait3A_133 = arith.constant 0 : i32
      %dma_wait3A_134 = tpu.memref_slice %arg3[%dma_wait3A_132, %dma_wait3A_133] : memref<100000x128xf32, #tpu.memory_space<hbm>> -> memref<100000x128xf32, #tpu.memory_space<hbm>>
      tpu.wait_indirect_dma semaphore(%arg14 : memref<!tpu.dma_semaphore, #tpu.memory_space<semaphore_mem>>) src(%dma_wait3A_134 : memref<100000x128xf32, #tpu.memory_space<hbm>>) dst(%arg9 : memref<128x128xf32, #tpu.memory_space<vmem>>)
      %add3A_135 = arith.constant 3 : i32
      %add3A_136 = arith.addi %add3A_129, %add3A_135 : i32
      %lt3A_137 = arith.constant 200 : i32
      %lt3A_138 = arith.cmpi slt, %add3A_136, %lt3A_137 : i32
      %convert_element_type3A_139 = arith.extui %lt3A_138 : i1 to i32
      %cond3A_140 = arith.constant 0 : i32
      %cond3A_141 = arith.cmpi ne, %convert_element_type3A_139, %cond3A_140 : i32
      scf.if %cond3A_141 {
        %ge3A = arith.constant 2 : i32
        %ge3A_184 = arith.cmpi sge, %add3A_129, %ge3A : i32
        %convert_element_type3A_185 = arith.extui %ge3A_184 : i1 to i32
        %cond3A_186 = arith.constant 0 : i32
        %cond3A_187 = arith.cmpi ne, %convert_element_type3A_185, %cond3A_186 : i32
        scf.if %cond3A_187 {
          %dma_wait3A_196 = arith.constant 0 : i32
          %dma_wait3A_197 = tpu.memref_slice %arg4[%mul3A_2, %dma_wait3A_196] : memref<819200x128xf32, #tpu.memory_space<hbm>> -> memref<128x128xf32, #tpu.memory_space<hbm>>
          %dma_wait3A_198 = arith.constant 0 : i32
          %dma_wait3A_199 = tpu.memref_slice %arg4[%mul3A_2, %dma_wait3A_198] : memref<819200x128xf32, #tpu.memory_space<hbm>> -> memref<128x128xf32, #tpu.memory_space<hbm>>
          tpu.wait_dma2 semaphore(%arg17 : memref<!tpu.dma_semaphore, #tpu.memory_space<semaphore_mem>>) src(%arg7 : memref<128x128xf32, #tpu.memory_space<vmem>>) dst(%dma_wait3A_199 : memref<128x128xf32, #tpu.memory_space<hbm>>)
        } else {
        }
        %add3A_188 = arith.constant 3 : i32
        %add3A_189 = arith.addi %add3A_129, %add3A_188 : i32
        %mul3A_190 = arith.constant 128 : i32
        %mul3A_191 = arith.muli %add3A_189, %mul3A_190 : i32
        %dma_start3A_192 = tpu.memref_slice %arg5[%mul3A_191] : memref<25600xi32, #tpu.memory_space<vmem>> -> memref<128xi32, #tpu.memory_space<vmem>>
        %dma_start3A_193 = arith.constant 0 : i32
        %dma_start3A_194 = arith.constant 0 : i32
        %dma_start3A_195 = tpu.memref_slice %arg3[%dma_start3A_193, %dma_start3A_194] : memref<100000x128xf32, #tpu.memory_space<hbm>> -> memref<100000x128xf32, #tpu.memory_space<hbm>>
        tpu.enqueue_indirect_dma source(%dma_start3A_195 : memref<100000x128xf32, #tpu.memory_space<hbm>>) target(%arg7 : memref<128x128xf32, #tpu.memory_space<vmem>>) offsets(%dma_start3A_192 : memref<128xi32, #tpu.memory_space<vmem>>) semaphore(%arg12 : memref<!tpu.dma_semaphore, #tpu.memory_space<semaphore_mem>>)
      } else {
      }
      %scan3A_142 = arith.constant 0 : i32
      %scan3A_143 = arith.constant 0 : i32
      %scan3A_144 = arith.constant 128 : i32
      %scan3A_145 = arith.addi %scan3A_143, %scan3A_144 : i32
      %scan3A_146 = arith.constant 1 : i32
      scf.for %scan3A_184 = %scan3A_143 to %scan3A_145 step %scan3A_146  : i32 {
        %get3A = arith.index_cast %scan3A_184 : i32 to index
        %get3A_185 = arith.constant 0 : index
        %get3A_186 = tpu.vector_load %arg9[%get3A, %get3A_185] {strides = array<i32>} : memref<128x128xf32, #tpu.memory_space<vmem>>, vector<1x16xf32>,
        %get3A_187 = vector.shape_cast %get3A_186 : vector<1x16xf32> to vector<16xf32>
        %mul3A_188 = arith.constant 11.3137083 : f32
        %mul3A_189 = vector.broadcast %mul3A_188 : f32 to vector<16xf32>
        %mul3A_190 = arith.mulf %get3A_187, %mul3A_189 : vector<16xf32>
        %swap3A = arith.index_cast %scan3A_184 : i32 to index
        %swap3A_191 = arith.constant 0 : index
        %swap3A_192 = tpu.vector_load %arg9[%swap3A, %swap3A_191] {strides = array<i32>} : memref<128x128xf32, #tpu.memory_space<vmem>>, vector<1x16xf32>,
        %swap3A_193 = vector.shape_cast %swap3A_192 : vector<1x16xf32> to vector<16xf32>
        %swap3A_194 = vector.shape_cast %mul3A_190 : vector<16xf32> to vector<1x16xf32>
        tpu.vector_store %arg9[%swap3A, %swap3A_191], %swap3A_194 {strides = array<i32>} : memref<128x128xf32, #tpu.memory_space<vmem>>, vector<1x16xf32>,
        %get3A_195 = arith.index_cast %scan3A_184 : i32 to index
        %get3A_196 = arith.constant 16 : index
        %get3A_197 = tpu.vector_load %arg9[%get3A_195, %get3A_196] {strides = array<i32>} : memref<128x128xf32, #tpu.memory_space<vmem>>, vector<1x16xf32>,
        %get3A_198 = vector.shape_cast %get3A_197 : vector<1x16xf32> to vector<16xf32>
        %mul3A_199 = arith.constant 11.3137083 : f32
        %mul3A_200 = vector.broadcast %mul3A_199 : f32 to vector<16xf32>
        %mul3A_201 = arith.mulf %get3A_198, %mul3A_200 : vector<16xf32>
        %swap3A_202 = arith.index_cast %scan3A_184 : i32 to index
        %swap3A_203 = arith.constant 16 : index
        %swap3A_204 = tpu.vector_load %arg9[%swap3A_202, %swap3A_203] {strides = array<i32>} : memref<128x128xf32, #tpu.memory_space<vmem>>, vector<1x16xf32>,
        %swap3A_205 = vector.shape_cast %swap3A_204 : vector<1x16xf32> to vector<16xf32>
        %swap3A_206 = vector.shape_cast %mul3A_201 : vector<16xf32> to vector<1x16xf32>
        tpu.vector_store %arg9[%swap3A_202, %swap3A_203], %swap3A_206 {strides = array<i32>} : memref<128x128xf32, #tpu.memory_space<vmem>>, vector<1x16xf32>,
        %get3A_207 = arith.index_cast %scan3A_184 : i32 to index
        %get3A_208 = arith.constant 32 : index
        %get3A_209 = tpu.vector_load %arg9[%get3A_207, %get3A_208] {strides = array<i32>} : memref<128x128xf32, #tpu.memory_space<vmem>>, vector<1x16xf32>,
        %get3A_210 = vector.shape_cast %get3A_209 : vector<1x16xf32> to vector<16xf32>
        %mul3A_211 = arith.constant 11.3137083 : f32
        %mul3A_212 = vector.broadcast %mul3A_211 : f32 to vector<16xf32>
        %mul3A_213 = arith.mulf %get3A_210, %mul3A_212 : vector<16xf32>
        %swap3A_214 = arith.index_cast %scan3A_184 : i32 to index
        %swap3A_215 = arith.constant 32 : index
        %swap3A_216 = tpu.vector_load %arg9[%swap3A_214, %swap3A_215] {strides = array<i32>} : memref<128x128xf32, #tpu.memory_space<vmem>>, vector<1x16xf32>,
        %swap3A_217 = vector.shape_cast %swap3A_216 : vector<1x16xf32> to vector<16xf32>
        %swap3A_218 = vector.shape_cast %mul3A_213 : vector<16xf32> to vector<1x16xf32>
        tpu.vector_store %arg9[%swap3A_214, %swap3A_215], %swap3A_218 {strides = array<i32>} : memref<128x128xf32, #tpu.memory_space<vmem>>, vector<1x16xf32>,
        %get3A_219 = arith.index_cast %scan3A_184 : i32 to index
        %get3A_220 = arith.constant 48 : index
        %get3A_221 = tpu.vector_load %arg9[%get3A_219, %get3A_220] {strides = array<i32>} : memref<128x128xf32, #tpu.memory_space<vmem>>, vector<1x16xf32>,
        %get3A_222 = vector.shape_cast %get3A_221 : vector<1x16xf32> to vector<16xf32>
        %mul3A_223 = arith.constant 11.3137083 : f32
        %mul3A_224 = vector.broadcast %mul3A_223 : f32 to vector<16xf32>
        %mul3A_225 = arith.mulf %get3A_222, %mul3A_224 : vector<16xf32>
        %swap3A_226 = arith.index_cast %scan3A_184 : i32 to index
        %swap3A_227 = arith.constant 48 : index
        %swap3A_228 = tpu.vector_load %arg9[%swap3A_226, %swap3A_227] {strides = array<i32>} : memref<128x128xf32, #tpu.memory_space<vmem>>, vector<1x16xf32>,
        %swap3A_229 = vector.shape_cast %swap3A_228 : vector<1x16xf32> to vector<16xf32>
        %swap3A_230 = vector.shape_cast %mul3A_225 : vector<16xf32> to vector<1x16xf32>
        tpu.vector_store %arg9[%swap3A_226, %swap3A_227], %swap3A_230 {strides = array<i32>} : memref<128x128xf32, #tpu.memory_space<vmem>>, vector<1x16xf32>,
        %get3A_231 = arith.index_cast %scan3A_184 : i32 to index
        %get3A_232 = arith.constant 64 : index
        %get3A_233 = tpu.vector_load %arg9[%get3A_231, %get3A_232] {strides = array<i32>} : memref<128x128xf32, #tpu.memory_space<vmem>>, vector<1x16xf32>,
        %get3A_234 = vector.shape_cast %get3A_233 : vector<1x16xf32> to vector<16xf32>
        %mul3A_235 = arith.constant 11.3137083 : f32
        %mul3A_236 = vector.broadcast %mul3A_235 : f32 to vector<16xf32>
        %mul3A_237 = arith.mulf %get3A_234, %mul3A_236 : vector<16xf32>
        %swap3A_238 = arith.index_cast %scan3A_184 : i32 to index
        %swap3A_239 = arith.constant 64 : index
        %swap3A_240 = tpu.vector_load %arg9[%swap3A_238, %swap3A_239] {strides = array<i32>} : memref<128x128xf32, #tpu.memory_space<vmem>>, vector<1x16xf32>,
        %swap3A_241 = vector.shape_cast %swap3A_240 : vector<1x16xf32> to vector<16xf32>
        %swap3A_242 = vector.shape_cast %mul3A_237 : vector<16xf32> to vector<1x16xf32>
        tpu.vector_store %arg9[%swap3A_238, %swap3A_239], %swap3A_242 {strides = array<i32>} : memref<128x128xf32, #tpu.memory_space<vmem>>, vector<1x16xf32>,
        %get3A_243 = arith.index_cast %scan3A_184 : i32 to index
        %get3A_244 = arith.constant 80 : index
        %get3A_245 = tpu.vector_load %arg9[%get3A_243, %get3A_244] {strides = array<i32>} : memref<128x128xf32, #tpu.memory_space<vmem>>, vector<1x16xf32>,
        %get3A_246 = vector.shape_cast %get3A_245 : vector<1x16xf32> to vector<16xf32>
        %mul3A_247 = arith.constant 11.3137083 : f32
        %mul3A_248 = vector.broadcast %mul3A_247 : f32 to vector<16xf32>
        %mul3A_249 = arith.mulf %get3A_246, %mul3A_248 : vector<16xf32>
        %swap3A_250 = arith.index_cast %scan3A_184 : i32 to index
        %swap3A_251 = arith.constant 80 : index
        %swap3A_252 = tpu.vector_load %arg9[%swap3A_250, %swap3A_251] {strides = array<i32>} : memref<128x128xf32, #tpu.memory_space<vmem>>, vector<1x16xf32>,
        %swap3A_253 = vector.shape_cast %swap3A_252 : vector<1x16xf32> to vector<16xf32>
        %swap3A_254 = vector.shape_cast %mul3A_249 : vector<16xf32> to vector<1x16xf32>
        tpu.vector_store %arg9[%swap3A_250, %swap3A_251], %swap3A_254 {strides = array<i32>} : memref<128x128xf32, #tpu.memory_space<vmem>>, vector<1x16xf32>,
        %get3A_255 = arith.index_cast %scan3A_184 : i32 to index
        %get3A_256 = arith.constant 96 : index
        %get3A_257 = tpu.vector_load %arg9[%get3A_255, %get3A_256] {strides = array<i32>} : memref<128x128xf32, #tpu.memory_space<vmem>>, vector<1x16xf32>,
        %get3A_258 = vector.shape_cast %get3A_257 : vector<1x16xf32> to vector<16xf32>
        %mul3A_259 = arith.constant 11.3137083 : f32
        %mul3A_260 = vector.broadcast %mul3A_259 : f32 to vector<16xf32>
        %mul3A_261 = arith.mulf %get3A_258, %mul3A_260 : vector<16xf32>
        %swap3A_262 = arith.index_cast %scan3A_184 : i32 to index
        %swap3A_263 = arith.constant 96 : index
        %swap3A_264 = tpu.vector_load %arg9[%swap3A_262, %swap3A_263] {strides = array<i32>} : memref<128x128xf32, #tpu.memory_space<vmem>>, vector<1x16xf32>,
        %swap3A_265 = vector.shape_cast %swap3A_264 : vector<1x16xf32> to vector<16xf32>
        %swap3A_266 = vector.shape_cast %mul3A_261 : vector<16xf32> to vector<1x16xf32>
        tpu.vector_store %arg9[%swap3A_262, %swap3A_263], %swap3A_266 {strides = array<i32>} : memref<128x128xf32, #tpu.memory_space<vmem>>, vector<1x16xf32>,
        %get3A_267 = arith.index_cast %scan3A_184 : i32 to index
        %get3A_268 = arith.constant 112 : index
        %get3A_269 = tpu.vector_load %arg9[%get3A_267, %get3A_268] {strides = array<i32>} : memref<128x128xf32, #tpu.memory_space<vmem>>, vector<1x16xf32>,
        %get3A_270 = vector.shape_cast %get3A_269 : vector<1x16xf32> to vector<16xf32>
        %mul3A_271 = arith.constant 11.3137083 : f32
        %mul3A_272 = vector.broadcast %mul3A_271 : f32 to vector<16xf32>
        %mul3A_273 = arith.mulf %get3A_270, %mul3A_272 : vector<16xf32>
        %swap3A_274 = arith.index_cast %scan3A_184 : i32 to index
        %swap3A_275 = arith.constant 112 : index
        %swap3A_276 = tpu.vector_load %arg9[%swap3A_274, %swap3A_275] {strides = array<i32>} : memref<128x128xf32, #tpu.memory_space<vmem>>, vector<1x16xf32>,
        %swap3A_277 = vector.shape_cast %swap3A_276 : vector<1x16xf32> to vector<16xf32>
        %swap3A_278 = vector.shape_cast %mul3A_273 : vector<16xf32> to vector<1x16xf32>
        tpu.vector_store %arg9[%swap3A_274, %swap3A_275], %swap3A_278 {strides = array<i32>} : memref<128x128xf32, #tpu.memory_space<vmem>>, vector<1x16xf32>,
      }
      %scan3A_147 = arith.constant 128 : i32
      %mul3A_148 = arith.constant 128 : i32
      %mul3A_149 = arith.muli %add3A_129, %mul3A_148 : i32
      %add3A_150 = arith.addi %mul3A_2, %mul3A_149 : i32
      %dma_start3A_151 = arith.constant 0 : i32
      %dma_start3A_152 = tpu.memref_slice %arg4[%add3A_150, %dma_start3A_151] : memref<819200x128xf32, #tpu.memory_space<hbm>> -> memref<128x128xf32, #tpu.memory_space<hbm>>
      %dma_start3A_153 = arith.constant 0 : i32
      %dma_start3A_154 = tpu.memref_slice %arg4[%add3A_150, %dma_start3A_153] : memref<819200x128xf32, #tpu.memory_space<hbm>> -> memref<128x128xf32, #tpu.memory_space<hbm>>
      tpu.enqueue_dma source(%arg9 : memref<128x128xf32, #tpu.memory_space<vmem>>) target(%dma_start3A_154 : memref<128x128xf32, #tpu.memory_space<hbm>>) target_semaphore(%arg19 : memref<!tpu.dma_semaphore, #tpu.memory_space<semaphore_mem>>)
      %mul3A_155 = arith.constant 5 : i32
      %mul3A_156 = arith.muli %mul3A_155, %scan3A_41 : i32
      %add3A_157 = arith.constant 4 : i32
      %add3A_158 = arith.addi %mul3A_156, %add3A_157 : i32
      %dma_wait3A_159 = arith.constant 0 : i32
      %dma_wait3A_160 = tpu.memref_slice %arg5[%dma_wait3A_159] : memref<25600xi32, #tpu.memory_space<vmem>> -> memref<128xi32, #tpu.memory_space<vmem>>
      %dma_wait3A_161 = arith.constant 0 : i32
      %dma_wait3A_162 = arith.constant 0 : i32
      %dma_wait3A_163 = tpu.memref_slice %arg3[%dma_wait3A_161, %dma_wait3A_162] : memref<100000x128xf32, #tpu.memory_space<hbm>> -> memref<100000x128xf32, #tpu.memory_space<hbm>>
      tpu.wait_indirect_dma semaphore(%arg15 : memref<!tpu.dma_semaphore, #tpu.memory_space<semaphore_mem>>) src(%dma_wait3A_163 : memref<100000x128xf32, #tpu.memory_space<hbm>>) dst(%arg10 : memref<128x128xf32, #tpu.memory_space<vmem>>)
      %add3A_164 = arith.constant 3 : i32
      %add3A_165 = arith.addi %add3A_158, %add3A_164 : i32
      %lt3A_166 = arith.constant 200 : i32
      %lt3A_167 = arith.cmpi slt, %add3A_165, %lt3A_166 : i32
      %convert_element_type3A_168 = arith.extui %lt3A_167 : i1 to i32
      %cond3A_169 = arith.constant 0 : i32
      %cond3A_170 = arith.cmpi ne, %convert_element_type3A_168, %cond3A_169 : i32
      scf.if %cond3A_170 {
        %ge3A = arith.constant 2 : i32
        %ge3A_184 = arith.cmpi sge, %add3A_158, %ge3A : i32
        %convert_element_type3A_185 = arith.extui %ge3A_184 : i1 to i32
        %cond3A_186 = arith.constant 0 : i32
        %cond3A_187 = arith.cmpi ne, %convert_element_type3A_185, %cond3A_186 : i32
        scf.if %cond3A_187 {
          %dma_wait3A_196 = arith.constant 0 : i32
          %dma_wait3A_197 = tpu.memref_slice %arg4[%mul3A_2, %dma_wait3A_196] : memref<819200x128xf32, #tpu.memory_space<hbm>> -> memref<128x128xf32, #tpu.memory_space<hbm>>
          %dma_wait3A_198 = arith.constant 0 : i32
          %dma_wait3A_199 = tpu.memref_slice %arg4[%mul3A_2, %dma_wait3A_198] : memref<819200x128xf32, #tpu.memory_space<hbm>> -> memref<128x128xf32, #tpu.memory_space<hbm>>
          tpu.wait_dma2 semaphore(%arg18 : memref<!tpu.dma_semaphore, #tpu.memory_space<semaphore_mem>>) src(%arg8 : memref<128x128xf32, #tpu.memory_space<vmem>>) dst(%dma_wait3A_199 : memref<128x128xf32, #tpu.memory_space<hbm>>)
        } else {
        }
        %add3A_188 = arith.constant 3 : i32
        %add3A_189 = arith.addi %add3A_158, %add3A_188 : i32
        %mul3A_190 = arith.constant 128 : i32
        %mul3A_191 = arith.muli %add3A_189, %mul3A_190 : i32
        %dma_start3A_192 = tpu.memref_slice %arg5[%mul3A_191] : memref<25600xi32, #tpu.memory_space<vmem>> -> memref<128xi32, #tpu.memory_space<vmem>>
        %dma_start3A_193 = arith.constant 0 : i32
        %dma_start3A_194 = arith.constant 0 : i32
        %dma_start3A_195 = tpu.memref_slice %arg3[%dma_start3A_193, %dma_start3A_194] : memref<100000x128xf32, #tpu.memory_space<hbm>> -> memref<100000x128xf32, #tpu.memory_space<hbm>>
        tpu.enqueue_indirect_dma source(%dma_start3A_195 : memref<100000x128xf32, #tpu.memory_space<hbm>>) target(%arg8 : memref<128x128xf32, #tpu.memory_space<vmem>>) offsets(%dma_start3A_192 : memref<128xi32, #tpu.memory_space<vmem>>) semaphore(%arg13 : memref<!tpu.dma_semaphore, #tpu.memory_space<semaphore_mem>>)
      } else {
      }
      %scan3A_171 = arith.constant 0 : i32
      %scan3A_172 = arith.constant 0 : i32
      %scan3A_173 = arith.constant 128 : i32
      %scan3A_174 = arith.addi %scan3A_172, %scan3A_173 : i32
      %scan3A_175 = arith.constant 1 : i32
      scf.for %scan3A_184 = %scan3A_172 to %scan3A_174 step %scan3A_175  : i32 {
        %get3A = arith.index_cast %scan3A_184 : i32 to index
        %get3A_185 = arith.constant 0 : index
        %get3A_186 = tpu.vector_load %arg10[%get3A, %get3A_185] {strides = array<i32>} : memref<128x128xf32, #tpu.memory_space<vmem>>, vector<1x16xf32>,
        %get3A_187 = vector.shape_cast %get3A_186 : vector<1x16xf32> to vector<16xf32>
        %mul3A_188 = arith.constant 11.3137083 : f32
        %mul3A_189 = vector.broadcast %mul3A_188 : f32 to vector<16xf32>
        %mul3A_190 = arith.mulf %get3A_187, %mul3A_189 : vector<16xf32>
        %swap3A = arith.index_cast %scan3A_184 : i32 to index
        %swap3A_191 = arith.constant 0 : index
        %swap3A_192 = tpu.vector_load %arg10[%swap3A, %swap3A_191] {strides = array<i32>} : memref<128x128xf32, #tpu.memory_space<vmem>>, vector<1x16xf32>,
        %swap3A_193 = vector.shape_cast %swap3A_192 : vector<1x16xf32> to vector<16xf32>
        %swap3A_194 = vector.shape_cast %mul3A_190 : vector<16xf32> to vector<1x16xf32>
        tpu.vector_store %arg10[%swap3A, %swap3A_191], %swap3A_194 {strides = array<i32>} : memref<128x128xf32, #tpu.memory_space<vmem>>, vector<1x16xf32>,
        %get3A_195 = arith.index_cast %scan3A_184 : i32 to index
        %get3A_196 = arith.constant 16 : index
        %get3A_197 = tpu.vector_load %arg10[%get3A_195, %get3A_196] {strides = array<i32>} : memref<128x128xf32, #tpu.memory_space<vmem>>, vector<1x16xf32>,
        %get3A_198 = vector.shape_cast %get3A_197 : vector<1x16xf32> to vector<16xf32>
        %mul3A_199 = arith.constant 11.3137083 : f32
        %mul3A_200 = vector.broadcast %mul3A_199 : f32 to vector<16xf32>
        %mul3A_201 = arith.mulf %get3A_198, %mul3A_200 : vector<16xf32>
        %swap3A_202 = arith.index_cast %scan3A_184 : i32 to index
        %swap3A_203 = arith.constant 16 : index
        %swap3A_204 = tpu.vector_load %arg10[%swap3A_202, %swap3A_203] {strides = array<i32>} : memref<128x128xf32, #tpu.memory_space<vmem>>, vector<1x16xf32>,
        %swap3A_205 = vector.shape_cast %swap3A_204 : vector<1x16xf32> to vector<16xf32>
        %swap3A_206 = vector.shape_cast %mul3A_201 : vector<16xf32> to vector<1x16xf32>
        tpu.vector_store %arg10[%swap3A_202, %swap3A_203], %swap3A_206 {strides = array<i32>} : memref<128x128xf32, #tpu.memory_space<vmem>>, vector<1x16xf32>,
        %get3A_207 = arith.index_cast %scan3A_184 : i32 to index
        %get3A_208 = arith.constant 32 : index
        %get3A_209 = tpu.vector_load %arg10[%get3A_207, %get3A_208] {strides = array<i32>} : memref<128x128xf32, #tpu.memory_space<vmem>>, vector<1x16xf32>,
        %get3A_210 = vector.shape_cast %get3A_209 : vector<1x16xf32> to vector<16xf32>
        %mul3A_211 = arith.constant 11.3137083 : f32
        %mul3A_212 = vector.broadcast %mul3A_211 : f32 to vector<16xf32>
        %mul3A_213 = arith.mulf %get3A_210, %mul3A_212 : vector<16xf32>
        %swap3A_214 = arith.index_cast %scan3A_184 : i32 to index
        %swap3A_215 = arith.constant 32 : index
        %swap3A_216 = tpu.vector_load %arg10[%swap3A_214, %swap3A_215] {strides = array<i32>} : memref<128x128xf32, #tpu.memory_space<vmem>>, vector<1x16xf32>,
        %swap3A_217 = vector.shape_cast %swap3A_216 : vector<1x16xf32> to vector<16xf32>
        %swap3A_218 = vector.shape_cast %mul3A_213 : vector<16xf32> to vector<1x16xf32>
        tpu.vector_store %arg10[%swap3A_214, %swap3A_215], %swap3A_218 {strides = array<i32>} : memref<128x128xf32, #tpu.memory_space<vmem>>, vector<1x16xf32>,
        %get3A_219 = arith.index_cast %scan3A_184 : i32 to index
        %get3A_220 = arith.constant 48 : index
        %get3A_221 = tpu.vector_load %arg10[%get3A_219, %get3A_220] {strides = array<i32>} : memref<128x128xf32, #tpu.memory_space<vmem>>, vector<1x16xf32>,
        %get3A_222 = vector.shape_cast %get3A_221 : vector<1x16xf32> to vector<16xf32>
        %mul3A_223 = arith.constant 11.3137083 : f32
        %mul3A_224 = vector.broadcast %mul3A_223 : f32 to vector<16xf32>
        %mul3A_225 = arith.mulf %get3A_222, %mul3A_224 : vector<16xf32>
        %swap3A_226 = arith.index_cast %scan3A_184 : i32 to index
        %swap3A_227 = arith.constant 48 : index
        %swap3A_228 = tpu.vector_load %arg10[%swap3A_226, %swap3A_227] {strides = array<i32>} : memref<128x128xf32, #tpu.memory_space<vmem>>, vector<1x16xf32>,
        %swap3A_229 = vector.shape_cast %swap3A_228 : vector<1x16xf32> to vector<16xf32>
        %swap3A_230 = vector.shape_cast %mul3A_225 : vector<16xf32> to vector<1x16xf32>
        tpu.vector_store %arg10[%swap3A_226, %swap3A_227], %swap3A_230 {strides = array<i32>} : memref<128x128xf32, #tpu.memory_space<vmem>>, vector<1x16xf32>,
        %get3A_231 = arith.index_cast %scan3A_184 : i32 to index
        %get3A_232 = arith.constant 64 : index
        %get3A_233 = tpu.vector_load %arg10[%get3A_231, %get3A_232] {strides = array<i32>} : memref<128x128xf32, #tpu.memory_space<vmem>>, vector<1x16xf32>,
        %get3A_234 = vector.shape_cast %get3A_233 : vector<1x16xf32> to vector<16xf32>
        %mul3A_235 = arith.constant 11.3137083 : f32
        %mul3A_236 = vector.broadcast %mul3A_235 : f32 to vector<16xf32>
        %mul3A_237 = arith.mulf %get3A_234, %mul3A_236 : vector<16xf32>
        %swap3A_238 = arith.index_cast %scan3A_184 : i32 to index
        %swap3A_239 = arith.constant 64 : index
        %swap3A_240 = tpu.vector_load %arg10[%swap3A_238, %swap3A_239] {strides = array<i32>} : memref<128x128xf32, #tpu.memory_space<vmem>>, vector<1x16xf32>,
        %swap3A_241 = vector.shape_cast %swap3A_240 : vector<1x16xf32> to vector<16xf32>
        %swap3A_242 = vector.shape_cast %mul3A_237 : vector<16xf32> to vector<1x16xf32>
        tpu.vector_store %arg10[%swap3A_238, %swap3A_239], %swap3A_242 {strides = array<i32>} : memref<128x128xf32, #tpu.memory_space<vmem>>, vector<1x16xf32>,
        %get3A_243 = arith.index_cast %scan3A_184 : i32 to index
        %get3A_244 = arith.constant 80 : index
        %get3A_245 = tpu.vector_load %arg10[%get3A_243, %get3A_244] {strides = array<i32>} : memref<128x128xf32, #tpu.memory_space<vmem>>, vector<1x16xf32>,
        %get3A_246 = vector.shape_cast %get3A_245 : vector<1x16xf32> to vector<16xf32>
        %mul3A_247 = arith.constant 11.3137083 : f32
        %mul3A_248 = vector.broadcast %mul3A_247 : f32 to vector<16xf32>
        %mul3A_249 = arith.mulf %get3A_246, %mul3A_248 : vector<16xf32>
        %swap3A_250 = arith.index_cast %scan3A_184 : i32 to index
        %swap3A_251 = arith.constant 80 : index
        %swap3A_252 = tpu.vector_load %arg10[%swap3A_250, %swap3A_251] {strides = array<i32>} : memref<128x128xf32, #tpu.memory_space<vmem>>, vector<1x16xf32>,
        %swap3A_253 = vector.shape_cast %swap3A_252 : vector<1x16xf32> to vector<16xf32>
        %swap3A_254 = vector.shape_cast %mul3A_249 : vector<16xf32> to vector<1x16xf32>
        tpu.vector_store %arg10[%swap3A_250, %swap3A_251], %swap3A_254 {strides = array<i32>} : memref<128x128xf32, #tpu.memory_space<vmem>>, vector<1x16xf32>,
        %get3A_255 = arith.index_cast %scan3A_184 : i32 to index
        %get3A_256 = arith.constant 96 : index
        %get3A_257 = tpu.vector_load %arg10[%get3A_255, %get3A_256] {strides = array<i32>} : memref<128x128xf32, #tpu.memory_space<vmem>>, vector<1x16xf32>,
        %get3A_258 = vector.shape_cast %get3A_257 : vector<1x16xf32> to vector<16xf32>
        %mul3A_259 = arith.constant 11.3137083 : f32
        %mul3A_260 = vector.broadcast %mul3A_259 : f32 to vector<16xf32>
        %mul3A_261 = arith.mulf %get3A_258, %mul3A_260 : vector<16xf32>
        %swap3A_262 = arith.index_cast %scan3A_184 : i32 to index
        %swap3A_263 = arith.constant 96 : index
        %swap3A_264 = tpu.vector_load %arg10[%swap3A_262, %swap3A_263] {strides = array<i32>} : memref<128x128xf32, #tpu.memory_space<vmem>>, vector<1x16xf32>,
        %swap3A_265 = vector.shape_cast %swap3A_264 : vector<1x16xf32> to vector<16xf32>
        %swap3A_266 = vector.shape_cast %mul3A_261 : vector<16xf32> to vector<1x16xf32>
        tpu.vector_store %arg10[%swap3A_262, %swap3A_263], %swap3A_266 {strides = array<i32>} : memref<128x128xf32, #tpu.memory_space<vmem>>, vector<1x16xf32>,
        %get3A_267 = arith.index_cast %scan3A_184 : i32 to index
        %get3A_268 = arith.constant 112 : index
        %get3A_269 = tpu.vector_load %arg10[%get3A_267, %get3A_268] {strides = array<i32>} : memref<128x128xf32, #tpu.memory_space<vmem>>, vector<1x16xf32>,
        %get3A_270 = vector.shape_cast %get3A_269 : vector<1x16xf32> to vector<16xf32>
        %mul3A_271 = arith.constant 11.3137083 : f32
        %mul3A_272 = vector.broadcast %mul3A_271 : f32 to vector<16xf32>
        %mul3A_273 = arith.mulf %get3A_270, %mul3A_272 : vector<16xf32>
        %swap3A_274 = arith.index_cast %scan3A_184 : i32 to index
        %swap3A_275 = arith.constant 112 : index
        %swap3A_276 = tpu.vector_load %arg10[%swap3A_274, %swap3A_275] {strides = array<i32>} : memref<128x128xf32, #tpu.memory_space<vmem>>, vector<1x16xf32>,
        %swap3A_277 = vector.shape_cast %swap3A_276 : vector<1x16xf32> to vector<16xf32>
        %swap3A_278 = vector.shape_cast %mul3A_273 : vector<16xf32> to vector<1x16xf32>
        tpu.vector_store %arg10[%swap3A_274, %swap3A_275], %swap3A_278 {strides = array<i32>} : memref<128x128xf32, #tpu.memory_space<vmem>>, vector<1x16xf32>,
      }
      %scan3A_176 = arith.constant 128 : i32
      %mul3A_177 = arith.constant 128 : i32
      %mul3A_178 = arith.muli %add3A_158, %mul3A_177 : i32
      %add3A_179 = arith.addi %mul3A_2, %mul3A_178 : i32
      %dma_start3A_180 = arith.constant 0 : i32
      %dma_start3A_181 = tpu.memref_slice %arg4[%add3A_179, %dma_start3A_180] : memref<819200x128xf32, #tpu.memory_space<hbm>> -> memref<128x128xf32, #tpu.memory_space<hbm>>
      %dma_start3A_182 = arith.constant 0 : i32
      %dma_start3A_183 = tpu.memref_slice %arg4[%add3A_179, %dma_start3A_182] : memref<819200x128xf32, #tpu.memory_space<hbm>> -> memref<128x128xf32, #tpu.memory_space<hbm>>
      tpu.enqueue_dma source(%arg10 : memref<128x128xf32, #tpu.memory_space<vmem>>) target(%dma_start3A_183 : memref<128x128xf32, #tpu.memory_space<hbm>>) target_semaphore(%arg20 : memref<!tpu.dma_semaphore, #tpu.memory_space<semaphore_mem>>)
    }
    %scan3A_21 = arith.constant 40 : i32
    %dma_wait3A = arith.constant 0 : i32
    %dma_wait3A_22 = tpu.memref_slice %arg4[%mul3A_2, %dma_wait3A] : memref<819200x128xf32, #tpu.memory_space<hbm>> -> memref<128x128xf32, #tpu.memory_space<hbm>>
    %dma_wait3A_23 = arith.constant 0 : i32
    %dma_wait3A_24 = tpu.memref_slice %arg4[%mul3A_2, %dma_wait3A_23] : memref<819200x128xf32, #tpu.memory_space<hbm>> -> memref<128x128xf32, #tpu.memory_space<hbm>>
    tpu.wait_dma2 semaphore(%arg16 : memref<!tpu.dma_semaphore, #tpu.memory_space<semaphore_mem>>) src(%arg6 : memref<128x128xf32, #tpu.memory_space<vmem>>) dst(%dma_wait3A_24 : memref<128x128xf32, #tpu.memory_space<hbm>>)
    %dma_wait3A_25 = arith.constant 0 : i32
    %dma_wait3A_26 = tpu.memref_slice %arg4[%mul3A_2, %dma_wait3A_25] : memref<819200x128xf32, #tpu.memory_space<hbm>> -> memref<128x128xf32, #tpu.memory_space<hbm>>
    %dma_wait3A_27 = arith.constant 0 : i32
    %dma_wait3A_28 = tpu.memref_slice %arg4[%mul3A_2, %dma_wait3A_27] : memref<819200x128xf32, #tpu.memory_space<hbm>> -> memref<128x128xf32, #tpu.memory_space<hbm>>
    tpu.wait_dma2 semaphore(%arg17 : memref<!tpu.dma_semaphore, #tpu.memory_space<semaphore_mem>>) src(%arg7 : memref<128x128xf32, #tpu.memory_space<vmem>>) dst(%dma_wait3A_28 : memref<128x128xf32, #tpu.memory_space<hbm>>)
    %dma_wait3A_29 = arith.constant 0 : i32
    %dma_wait3A_30 = tpu.memref_slice %arg4[%mul3A_2, %dma_wait3A_29] : memref<819200x128xf32, #tpu.memory_space<hbm>> -> memref<128x128xf32, #tpu.memory_space<hbm>>
    %dma_wait3A_31 = arith.constant 0 : i32
    %dma_wait3A_32 = tpu.memref_slice %arg4[%mul3A_2, %dma_wait3A_31] : memref<819200x128xf32, #tpu.memory_space<hbm>> -> memref<128x128xf32, #tpu.memory_space<hbm>>
    tpu.wait_dma2 semaphore(%arg18 : memref<!tpu.dma_semaphore, #tpu.memory_space<semaphore_mem>>) src(%arg8 : memref<128x128xf32, #tpu.memory_space<vmem>>) dst(%dma_wait3A_32 : memref<128x128xf32, #tpu.memory_space<hbm>>)
    %dma_wait3A_33 = arith.constant 0 : i32
    %dma_wait3A_34 = tpu.memref_slice %arg4[%mul3A_2, %dma_wait3A_33] : memref<819200x128xf32, #tpu.memory_space<hbm>> -> memref<128x128xf32, #tpu.memory_space<hbm>>
    %dma_wait3A_35 = arith.constant 0 : i32
    %dma_wait3A_36 = tpu.memref_slice %arg4[%mul3A_2, %dma_wait3A_35] : memref<819200x128xf32, #tpu.memory_space<hbm>> -> memref<128x128xf32, #tpu.memory_space<hbm>>
    tpu.wait_dma2 semaphore(%arg19 : memref<!tpu.dma_semaphore, #tpu.memory_space<semaphore_mem>>) src(%arg9 : memref<128x128xf32, #tpu.memory_space<vmem>>) dst(%dma_wait3A_36 : memref<128x128xf32, #tpu.memory_space<hbm>>)
    %dma_wait3A_37 = arith.constant 0 : i32
    %dma_wait3A_38 = tpu.memref_slice %arg4[%mul3A_2, %dma_wait3A_37] : memref<819200x128xf32, #tpu.memory_space<hbm>> -> memref<128x128xf32, #tpu.memory_space<hbm>>
    %dma_wait3A_39 = arith.constant 0 : i32
    %dma_wait3A_40 = tpu.memref_slice %arg4[%mul3A_2, %dma_wait3A_39] : memref<819200x128xf32, #tpu.memory_space<hbm>> -> memref<128x128xf32, #tpu.memory_space<hbm>>
    tpu.wait_dma2 semaphore(%arg20 : memref<!tpu.dma_semaphore, #tpu.memory_space<semaphore_mem>>) src(%arg10 : memref<128x128xf32, #tpu.memory_space<vmem>>) dst(%dma_wait3A_40 : memref<128x128xf32, #tpu.memory_space<hbm>>)
    return
  }
}

</mosaic_0001>

<sc_bundles>
// kernel: kernel.3.cloned.1.call-start
scs
__scs_entry_jumppad:
0x0: {  	(pc) =	sbr.rel $0x88, $3  }
0x1: {  	(tag) =	ssettag $0x0;
	lr =	simm.s32 $0x1  }
0x2: {  	[smem:$0x3F9F] =	sst lr;
	_ =	strace $0xD0000000  }
0x3: {  	_ = 	snop  }
0x4: {  	_ = 	snop  }
0x5: {  	_ = 	snop  }
0x6: {  	_ = 	snop  }
0x7: {  	_ = 	snop  }
__scs_overlays_trampoline_lowered:
0x8: {  	[smem:$0x3FAE] =	sst s0  }
0x9: {  	[smem:$0x3FAF] =	sst s1  }
0xa: {  	[smem:$0x3FB0] =	sst s2  }
0xb: {  	[smem:$0x3FB1] =	sst s3  }
0xc: {  	[smem:$0x3FB2] =	sst s4  }
0xd: {  	[smem:$0x3FB3] =	sst s5  }
0xe: {  	[smem:$0x3FB4] =	sst s6  }
0xf: {  	[smem:$0x3FB5] =	sst s7  }
0x10: {  	[smem:$0x3FB6] =	sst s8  }
0x11: {  	[smem:$0x3FB7] =	sst s9;
	s0 =	simm.s32 @!p0 $0x0  }
0x12: {  	s1 =	sld [smem:$0x3F9D];
	s0 =	simm.s32 @p0 $0x1  }
0x13: {  	[smem:$0x3FB8] =	sst s0;
	s0 =	simm.s32 @!p1 $0x0  }
0x14: {  	s2 =	sld [smem:$0x3F9C];
	s0 =	simm.s32 @p1 $0x1  }
0x15: {  	[smem:$0x3FB9] =	sst s0;
	s0 =	simm.s32 @!p2 $0x0  }
0x16: {  	s3 =	sld [smem:$0x3FDB];
	s0 =	simm.s32 @p2 $0x1  }
0x17: {  	s4 =	simm.s32 $0x1BF5;
	[smem:$0x3FBB] =	sst s0  }
0x18: {  	s0 =	sld [smem:$0x3F9E];
	_ =	swait.ge [sflag:s4], $0x0  }
0x19: {  	s7 =	sld [smem:$0x3F9F]  }
0x1a: {  	s8 =	sadd.s32 $0xFFFFE003, lr  }
0x1b: {  	s9 =	sadd.s32 $0xFFFFFEF7, lr;
	s5 =	simm.s32 $0xFFFFFFFF;
	p2 =	slt.u32 s8, $0xFFFFF086  }
0x1c: {  	p1 =	slt.u32 s9, $0xF7A;
	s5 =	simm.s32 @!p2 $0x0  }
0x1d: {  	s5 =	simm.s32 @p1 $0x1;
	p0 =	seq.s32 s7, s2  }
0x1e: {  	s7 =	smul.u32 @!p0 $0xF7A, s2;
	p2 =	seq.s32 @!p0 s5, $0x0  }
0x1f: {  	s9 =	smul.u32 $0xF7A, s1;
	s8 =	simm.s32 @!p0 $0x1BF5;
	p2 =	por !p2, p0  }
0x20: {  	[sflag:s8] =	ssyncset.s32 @!p0 $0xFFFFF086;
	s6 =	sadd.s32 @!p0 s3, s7;
	s7 =	simm.s32 @!p0 $0x108  }
0x21: {  	s3 =	sadd.s32 s3, s9;
	s6 =	sadd.s32 @!p0 $0x88, s6;
	s7 =	simm.s32 @p2 $0x1082  }
0x22: {  	[simem:s7], [sflag:s8] =	dma.local @!p0 [hbm:s6], $0xF7A  }
0x23: {  	s9 =	sor.u32 $0xD0000000, s2;
	s6 =	simm.s32 $0x108;
	_ =	swait.ge @!p0 [sflag:s8], $0x0  }
0x24: {  	s3 =	sadd.s32 $0x88, s3;
	s6 =	simm.s32 @!p1 $0x1082;
	[sflag:s4] =	ssyncset.s32 $0xFFFFF086  }
0x25: {  	[simem:s6], [sflag:s4] =	dma.local [hbm:s3], $0xF7A  }
0x26: {  	[smem:$0x3F9F] =	sst s1;
	(tag) =	ssettag s2;
	_ =	strace s9  }
0x27: {  	s1 =	sld [smem:$0x3FAF]  }
0x28: {  	s2 =	sld [smem:$0x3FB0]  }
0x29: {  	s4 =	sld [smem:$0x3FB2]  }
0x2a: {  	p0 =	seq.s32 s5, $0x0;
	s5 =	sld [smem:$0x3FB3]  }
0x2b: {  	s6 =	sld [smem:$0x3FB4]  }
0x2c: {  	s7 =	sld [smem:$0x3FB5]  }
0x2d: {  	s3 =	simm.s32 $0x108;
	s8 =	sld [smem:$0x3FB6]  }
0x2e: {  	s3 =	simm.s32 @!p0 $0x1082;
	s9 =	sld [smem:$0x3FB7]  }
0x2f: {  	lr =	sadd.s32 s0, s3;
	s0 =	sld [smem:$0x3FAE]  }
0x30: {  	s3 =	sld [smem:$0x3FB1]  }
0x31: {  	[smem:$0x3FBA] =	sst s10  }
0x32: {  	s10 =	sld [smem:$0x3FB8];
	_ =	sdelay $0x3  }
0x33: {  	p0 =	seq.s32 s10, $0x1;
	s10 =	sld [smem:$0x3FBA];
	_ =	sdelay $0x3  }
0x34: {  	[smem:$0x3FBA] =	sst s10  }
0x35: {  	s10 =	sld [smem:$0x3FB9];
	_ =	sdelay $0x3  }
0x36: {  	p1 =	seq.s32 s10, $0x1;
	s10 =	sld [smem:$0x3FBA];
	_ =	sdelay $0x3  }
0x37: {  	[smem:$0x3FBA] =	sst s10  }
0x38: {  	s10 =	sld [smem:$0x3FBB]  }
0x39: {  	_ = 	snop;
	(pc) =	sbr.ind lr, $3  }
0x3a: {  	_ = 	snop  }
0x3b: {  	_ = 	snop  }
0x3c: {  	p2 =	seq.s32 s10, $0x1;
	s10 =	sld [smem:$0x3FBA]  }
0x3d: {  	_ =	shalt  }
0x3e: {  	_ =	shalt  }
0x3f: {  	_ =	shalt  }
0x40: {  	_ =	shalt  }
0x41: {  	_ =	shalt  }
0x42: {  	_ =	shalt  }
0x43: {  	_ =	shalt  }
0x44: {  	_ =	shalt  }
0x45: {  	_ =	shalt  }
0x46: {  	_ =	shalt  }
0x47: {  	_ =	shalt  }
0x48: {  	_ =	shalt  }
0x49: {  	_ =	shalt  }
0x4a: {  	_ =	shalt  }
0x4b: {  	_ =	shalt  }
0x4c: {  	_ =	shalt  }
0x4d: {  	_ =	shalt  }
0x4e: {  	_ =	shalt  }
0x4f: {  	_ =	shalt  }
0x50: {  	_ =	shalt  }
0x51: {  	_ =	shalt  }
0x52: {  	_ =	shalt  }
0x53: {  	_ =	shalt  }
0x54: {  	_ =	shalt  }
0x55: {  	_ =	shalt  }
0x56: {  	_ =	shalt  }
0x57: {  	_ =	shalt  }
0x58: {  	_ =	shalt  }
0x59: {  	_ =	shalt  }
0x5a: {  	_ =	shalt  }
0x5b: {  	_ =	shalt  }
0x5c: {  	_ =	shalt  }
0x5d: {  	_ =	shalt  }
0x5e: {  	_ =	shalt  }
0x5f: {  	_ =	shalt  }
0x60: {  	_ =	shalt  }
0x61: {  	_ =	shalt  }
0x62: {  	_ =	shalt  }
0x63: {  	_ =	shalt  }
0x64: {  	_ =	shalt  }
0x65: {  	_ =	shalt  }
0x66: {  	_ =	shalt  }
0x67: {  	_ =	shalt  }
0x68: {  	_ =	shalt  }
0x69: {  	_ =	shalt  }
0x6a: {  	_ =	shalt  }
0x6b: {  	_ =	shalt  }
0x6c: {  	_ =	shalt  }
0x6d: {  	_ =	shalt  }
0x6e: {  	_ =	shalt  }
0x6f: {  	_ =	shalt  }
0x70: {  	_ =	shalt  }
0x71: {  	_ =	shalt  }
0x72: {  	_ =	shalt  }
0x73: {  	_ =	shalt  }
0x74: {  	_ =	shalt  }
0x75: {  	_ =	shalt  }
0x76: {  	_ =	shalt  }
0x77: {  	_ =	shalt  }
0x78: {  	_ =	shalt  }
0x79: {  	_ =	shalt  }
0x7a: {  	_ =	shalt  }
0x7b: {  	_ =	shalt  }
0x7c: {  	_ =	shalt  }
0x7d: {  	_ =	shalt  }
0x7e: {  	_ =	shalt  }
0x7f: {  	_ =	shalt  }
0x80: {  	_ =	shalt  }
0x81: {  	_ =	shalt  }
0x82: {  	_ =	shalt  }
0x83: {  	_ =	shalt  }
0x84: {  	_ =	shalt  }
0x85: {  	_ =	shalt  }
0x86: {  	_ =	shalt  }
0x87: {  	_ =	shalt  }
.Lfunc_end0:
.L_simem_size_0:
called_computation_lowered:
.L_overlay_start_0:
0x88: {  	s2 =	sld [smem:$0x3FD9]  }
0x89: {  	s3 =	sld [smem:$0x3FFE];
	_ =	sdelay $0x1  }
0x8a: {  	s1 =	srdreg.scid  }
0x8b: {  	s0 =	sand.u32 $0x1, s1  }
0x8c: {  	s17 =	sshll.u32 s0, $0xA;
	s2 =	sadd.s32 s3, s2  }
0x8d: {  	s2 =	sadd.s32 s2, s17  }
0x8e: {  	[smem:$0x3FC6] =	sst s2  }
0x8f: {  	_ = 	snop  }
0x90: {  	s2 =	sld [smem:$0x3FC8]  }
0x91: {  	s18 =	sld [smem:$0x3FD0];
	(tm) =	ssettm $0x1  }
0x92: {  	s4 =	sld [smem:$0x3FFB];
	_ =	sdelay $0x3  }
0x93: {  	_ =	strace s4  }
0x94: {  	s4 =	sld [smem:$0x3FFC];
	_ =	sdelay $0x3  }
0x95: {  	_ =	strace s4  }
0x96: {  	s4 =	sld [smem:$0x3FFD];
	_ =	sdelay $0x3  }
0x97: {  	_ =	strace s4  }
0x98: {  	_ =	strace $0x8FFFFFFF  }
0x99: {  	s19 =	sld [smem:$0x3FDB];
	_ =	sdelay $0x1  }
0x9a: {  	s5 =	simm.s32 $_scs_section_size  }
0x9b: {  	s6 =	simm.s32 $_size__tile_overlayer_lowered;
	s7 =	simm.s32 $_tile_overlayer_lowered  }
0x9c: {  	s22 =	simm.s32 $0x1BFF;
	s21 =	sshll.u32 s7, $0x1;
	s4 =	sadd.s32 s5, s19  }
0x9d: {  	s8 =	simm.s32 $0x0;
	s20 =	sshll.u32 s6, $0x1;
	s6 =	sadd.s32 s21, s4  }
0x9e: {  	[timem:s8], [sflag:s22] =	dma.local [hbm:s6], s20  }
0x9f: {  	_ =	swait.ge [sflag:s22], s20  }
0xa0: {  	s5 =	ssub.s32 $0x0, s20;
	[sflag:s22] =	ssyncset.done $0x0  }
0xa1: {  	[sflag:s22] =	ssyncadd.s32 s5;
	_ =	sdelay $0x1  }
0xa2: {  	s23 =	simm.s32 $0x1B8B  }
0xa3: {  	_ =	swait.ge [sflag:s23], $0x1  }
0xa4: {  	[sflag:s23] =	ssyncset.done $0x0  }
0xa5: {  	s25 =	simm.s32 $0x1B8E;
	s24 =	sld [smem:$0x3FFE];
	[sflag:s23] =	ssyncadd.s32 $0xFFFFFFFF  }
0xa6: {  	s26 =	simm.s32 $execute0_lowered;
	[smem:$0x3FD2] =	sst s25  }
0xa7: {  	s6 =	sshll.u32 s26, $0x1;
	_ =	strace $0x80000046;
	[dreg:$0x1] =	wrdreg $0xFFFFFFFF  }
0xa8: {  	s28 =	simm.s32 $_size_execute0_lowered;
	s4 =	sadd.s32 s4, s6;
	[dreg:$0x0] =	wrdreg $0x0  }
0xa9: {  	s6 =	sshll.u32 s28, $0x1;
	[dreg:$0x2] =	wrdreg s4  }
0xaa: {  	[dreg:$0x3] =	wrdreg s6  }
0xab: {  	[dreg:$0x4] =	wrdreg $0xC0  }
0xac: {  	_ =	task [dreg:s8], $0x5FFFF  }
0xad: {  	[dreg:$0x1] =	wrdreg $0xFFFFFFFF  }
0xae: {  	[dreg:$0x0] =	wrdreg $0x60  }
0xaf: {  	[dreg:$0x2] =	wrdreg s24  }
0xb0: {  	[dreg:$0x3] =	wrdreg s2  }
0xb1: {  	[dreg:$0x4] =	wrdreg s18  }
0xb2: {  	[dreg:$0x5] =	wrdreg $0x9  }
0xb3: {  	_ =	task.clear_ibuf [dreg:s8], $0x6FFFF;
	_ =	strace $0x90000046  }
0xb4: {  	s29 =	simm.s32 $0x9;
	_ =	strace $0x80000048  }
0xb5: {  	_ =	swait.ge [sflag:s29], $0x1  }
0xb6: {  	[sflag:s29] =	ssyncadd.s32 $0xFFFFFFFF  }
0xb7: {  	_ =	strace $0x90000048  }
0xb8: {  	_ =	sfence  }
0xb9: {  	s30 =	sld [smem:$0x0];
	_ =	sdelay $0x2  }
0xba: {  	s31 =	sshll.u32 s1, $0xD;
	s1 =	sshrl.u32 s1, $0x2  }
0xbb: {  	s3 =	sand.u32 $0x4000, s31;
	s1 =	sadd.s32 s1, s30  }
0xbc: {  	s0 =	sor.u32 s3, s0;
	s1 =	sshll.u32 s1, $0x11  }
0xbd: {  	s0 =	sor.u32 s1, s0  }
0xbe: {  	s0 =	sadd.s32 $0x8F2B, s0  }
0xbf: {  	[sflag:s0] =	ssyncadd.remote.s32 $0x1  }
0xc0: {  	_ =	sfence.sel $0xFFFF  }
0xc1: {  	[dreg:$0x0] =	wrdreg $0xFFFFFFFF;
	(pc) =	sbr.abs _section_cstart, $3  }
0xc2: {  	[dreg:$0x1] =	wrdreg $0xFFFFFFFF  }
0xc3: {  	_ =	task.clear_ibuf [dreg:s8], $0x2FFFF;
	_ =	strace $0x9FFFFFFF  }
0xc4: {  	(tm) =	ssettm $0x7FFFFFFF  }
0xc5: {  	_ =	shalt  }
tec
execute0_lowered:
.L_overlay_start_1:
0x0: {  	(tag) =	ssettag $0x1  }
0x1: {  	s0 =	rddreg [dreg:$0x0];
	s1 =	srdreg.scid  }
0x2: {  	s3 =	stileid.u32;
	s2 =	rddreg [dreg:$0x1]  }
0x3: {  	s12 =	simm.s32 $0x80;
	s13 =	simm.s32 $0x6400;
	s14 =	simm.s32 $0xA400  }
0x4: {  	s16 =	simm.s32 $0xE400;
	s17 =	simm.s32 $0x1;
	s18 =	simm.s32 $0x12400  }
0x5: {  	s19 =	simm.s32 $0x2;
	s20 =	simm.s32 $0x16400;
	s21 =	simm.s32 $0x3  }
0x6: {  	s22 =	simm.s32 $0x4;
	s23 =	simm.s32 $0x5;
	s25 =	simm.s32 $0x7  }
0x7: {  	s28 =	simm.s32 $0x9;
	s1 =	sand.u32 $0x1, s1;
	s4 =	sshll.u32 s3, $0x1  }
0x8: {  	s29 =	simm.s32 $0xA;
	s3 =	rddreg [dreg:$0x2];
	s6 =	sor.u32 s1, s4  }
0x9: {  	s4 =	simm.s32 $0x0;
	s1 =	ssub.s32 $0x2, s1;
	s5 =	smul.u32 $0x6400, s6  }
0xa: {  	s30 =	simm.s32 $0x0;
	[smem:$0x7FF] =	sst s4;
	s26 =	sshrl.u32 s1, $0x1  }
0xb: {  	s6 =	smul.u32 $0x320000, s6;
	s1 =	ssub.s32 s1, s26;
	s7 =	sshrl.u32 s5, $0x3  }
0xc: {  	_ =	strace $0x80000047;
	s31 =	smax.u32 s1, $0x1;
	s0 =	sadd.s32 s7, s0  }
0xd: {  	s26 =	simm.s32 $0x8;
	[dreg:$0x5] =	wrdreg s31;
	s0 =	sadd.s32 $0x400, s0  }
0xe: {  	s8 =	sor.u32 $0x4000, s6;
	s9 =	sor.u32 $0x100, s5;
	[dreg:$0x4] =	wrdreg s0  }
.LBB2_1:
0xf: {  	s0 =	rddreg [dreg:$0x4];
	s15 =	simm.s32 $0xB  }
0x10: {  	[tilespmem:s4], [sflag:$0xB] =	stream.linear.gather [hbm4b:s0+s4], $0x6400, $0x38;
	[tilespmem:$0x1A400] =	vst v63  }
0x11: {  	_ =	swait.ge [sflag:s15], $0x6400  }
0x12: {  	[sflag:s15] =	ssyncset.done $0x0  }
0x13: {  	[sflag:s15] =	ssyncadd.s32 $0xFFFF9C00  }
0x14: {  	[tilespmem:s13], [sflag:$0x1] =	stream.indirect.gather [hbm4b:s2+s12], $0x80, s4, s12, $0xb8;
	[tilespmem:$0x1A400] =	vst v63  }
0x15: {  	_ = 	snop  }
0x16: {  	[tilespmem:s14], [sflag:$0x2] =	stream.indirect.gather [hbm4b:s2+s12], $0x80, s12, s12, $0xb8;
	[tilespmem:$0x1A400] =	vst v63  }
0x17: {  	s24 =	simm.s32 $0x100;
	s31 =	simm.s32 $0x0  }
0x18: {  	[tilespmem:s16], [sflag:$0x3] =	stream.indirect.gather [hbm4b:s2+s12], $0x80, s24, s12, $0xb8;
	[tilespmem:$0x1A400] =	vst v63  }
.LBB2_2:
0x19: {  	_ =	swait.ge [sflag:s17], $0x4000  }
0x1a: {  	s0 =	smul.u32 $0x5, s31;
	p0 =	seq.s32 s31, $0x0;
	[sflag:s17] =	ssyncset.done $0x0  }
0x1b: {  	s7 =	simm.s32 @!p0 $0x9;
	[sflag:s17] =	ssyncadd.s32 $0xFFFFC000  }
0x1c: {  	s1 =	sadd.s32 $0x3, s0;
	_ =	swait.ge @!p0 [sflag:s7], $0x4000  }
0x1d: {  	s10 =	sshll.u32 s1, $0x7;
	[sflag:s7] =	ssyncset.done @!p0 $0x0  }
0x1e: {  	s24 =	sand.u32 $0x3FFFFF80, s10;
	[sflag:s7] =	ssyncadd.s32 @!p0 $0xFFFFC000;
	s7 =	simm.s32 $0x0  }
0x1f: {  	[tilespmem:s18], [sflag:$0x4] =	stream.indirect.gather [hbm4b:s2+s12], $0x80, s24, s12, $0xb8;
	[tilespmem:$0x1A400] =	vst v63  }
0x20: {  	v2 =	vld [tilespmem:s7+$0x6400]  }
0x21: {  	v5 =	vld [tilespmem:s7+$0x6410]  }
0x22: {  	v4 =	vld [tilespmem:s7+$0x6420]  }
0x23: {  	v3 =	vld [tilespmem:s7+$0x6430]  }
0x24: {  	v0 =	vld [tilespmem:s7+$0x6440]  }
0x25: {  	v1 =	vld [tilespmem:s7+$0x6450];
	v6 =	vmul.f32 $1.131370830e+01, v2  }
0x26: {  	s10 =	simm.s32 $0x200;
	v5 =	vmul.f32 $1.131370830e+01, v5;
	v2 =	vld [tilespmem:s7+$0x6460]  }
.LBB2_3:
0x27: {  	s11 =	sshra.s32 s10, $0x2;
	p1 =	sne.s32 s10, $0xFE00;
	[tilespmem:s7+$0x6400] =	vst v6;
	v4 =	vmul.f32 $1.131370830e+01, v4;
	v6 =	vld [tilespmem:s7+$0x6470]  }
0x28: {  	v7 =	vld [tilespmem:s11+$0x6400];
	[tilespmem:s7+$0x6410] =	vst v5;
	v3 =	vmul.f32 $1.131370830e+01, v3  }
0x29: {  	v5 =	vld [tilespmem:s11+$0x6410];
	[tilespmem:s7+$0x6420] =	vst v4;
	v0 =	vmul.f32 $1.131370830e+01, v0  }
.Ltmp0:
0x2a: {  	v4 =	vld [tilespmem:s11+$0x6420];
	[tilespmem:s7+$0x6430] =	vst v3;
	v1 =	vmul.f32 $1.131370830e+01, v1;
	(pc) =	sbr.rel @p1 .LBB2_3-.Ltmp0, $4  }
0x2b: {  	v3 =	vld [tilespmem:s11+$0x6430];
	[tilespmem:s7+$0x6440] =	vst v0;
	v2 =	vmul.f32 $1.131370830e+01, v2  }
0x2c: {  	v0 =	vld [tilespmem:s11+$0x6440];
	[tilespmem:s7+$0x6450] =	vst v1;
	v8 =	vmul.f32 $1.131370830e+01, v6  }
0x2d: {  	v6 =	vmul.f32 $1.131370830e+01, v7;
	v1 =	vld [tilespmem:s11+$0x6450];
	[tilespmem:s7+$0x6460] =	vst v2  }
0x2e: {  	s10 =	sadd.s32 $0x200, s10;
	v5 =	vmul.f32 $1.131370830e+01, v5;
	v2 =	vld [tilespmem:s11+$0x6460];
	[tilespmem:s7+$0x6470] =	vst v8;
	s7 =	smov.u32 s11  }
0x2f: {  	[tilespmem:s7+$0x6400] =	vst v6;
	v4 =	vmul.f32 $1.131370830e+01, v4;
	v6 =	vld [tilespmem:s7+$0x6470]  }
0x30: {  	[tilespmem:s7+$0x6410] =	vst v5;
	v3 =	vmul.f32 $1.131370830e+01, v3  }
0x31: {  	[tilespmem:s7+$0x6420] =	vst v4;
	v0 =	vmul.f32 $1.131370830e+01, v0  }
0x32: {  	s15 =	smul.u32 $0x280, s31;
	[tilespmem:s7+$0x6430] =	vst v3;
	v1 =	vmul.f32 $1.131370830e+01, v1  }
0x33: {  	[tilespmem:s7+$0x6440] =	vst v0;
	v0 =	vmul.f32 $1.131370830e+01, v2  }
0x34: {  	s10 =	sadd.s32 s5, s15;
	[tilespmem:s7+$0x6450] =	vst v1;
	v1 =	vmul.f32 $1.131370830e+01, v6  }
0x35: {  	s10 =	sshll.u32 s10, $0x4;
	[tilespmem:s7+$0x6460] =	vst v0  }
0x36: {  	s10 =	sadd.s32 s3, s10;
	[tilespmem:s7+$0x6470] =	vst v1  }
0x37: {  	[hbm4b:s10+s4] =	stream.linear.scatter [tilespmem:s13], [sflag:$0x6], $0x4000, $0x38;
	[tilespmem:$0x1A400] =	vst v63  }
0x38: {  	_ =	swait.ge [sflag:s19], $0x4000  }
0x39: {  	[sflag:s19] =	ssyncset.done $0x0  }
0x3a: {  	s7 =	simm.s32 @!p0 $0xA;
	[sflag:s19] =	ssyncadd.s32 $0xFFFFC000  }
0x3b: {  	s0 =	sadd.s32 $0x4, s0;
	_ =	swait.ge @!p0 [sflag:s7], $0x4000  }
0x3c: {  	s11 =	sshll.u32 s0, $0x7;
	[sflag:s7] =	ssyncset.done @!p0 $0x0  }
0x3d: {  	s24 =	sand.u32 $0x3FFFFF80, s11;
	[sflag:s7] =	ssyncadd.s32 @!p0 $0xFFFFC000;
	s7 =	simm.s32 $0x0  }
0x3e: {  	[tilespmem:s20], [sflag:$0x5] =	stream.indirect.gather [hbm4b:s2+s12], $0x80, s24, s12, $0xb8;
	[tilespmem:$0x1A400] =	vst v63  }
0x3f: {  	v2 =	vld [tilespmem:s7+$0xA400]  }
0x40: {  	v5 =	vld [tilespmem:s7+$0xA410]  }
0x41: {  	v4 =	vld [tilespmem:s7+$0xA420]  }
0x42: {  	v3 =	vld [tilespmem:s7+$0xA430]  }
0x43: {  	v0 =	vld [tilespmem:s7+$0xA440]  }
0x44: {  	v1 =	vld [tilespmem:s7+$0xA450];
	v6 =	vmul.f32 $1.131370830e+01, v2  }
0x45: {  	s10 =	simm.s32 $0x200;
	v5 =	vmul.f32 $1.131370830e+01, v5;
	v2 =	vld [tilespmem:s7+$0xA460]  }
.LBB2_5:
0x46: {  	s11 =	sshra.s32 s10, $0x2;
	p0 =	sne.s32 s10, $0xFE00;
	[tilespmem:s7+$0xA400] =	vst v6;
	v4 =	vmul.f32 $1.131370830e+01, v4;
	v6 =	vld [tilespmem:s7+$0xA470]  }
0x47: {  	v7 =	vld [tilespmem:s11+$0xA400];
	[tilespmem:s7+$0xA410] =	vst v5;
	v3 =	vmul.f32 $1.131370830e+01, v3  }
0x48: {  	v5 =	vld [tilespmem:s11+$0xA410];
	[tilespmem:s7+$0xA420] =	vst v4;
	v0 =	vmul.f32 $1.131370830e+01, v0  }
.Ltmp1:
0x49: {  	v4 =	vld [tilespmem:s11+$0xA420];
	[tilespmem:s7+$0xA430] =	vst v3;
	v1 =	vmul.f32 $1.131370830e+01, v1;
	(pc) =	sbr.rel @p0 .LBB2_5-.Ltmp1, $4  }
0x4a: {  	v3 =	vld [tilespmem:s11+$0xA430];
	[tilespmem:s7+$0xA440] =	vst v0;
	v2 =	vmul.f32 $1.131370830e+01, v2  }
0x4b: {  	v0 =	vld [tilespmem:s11+$0xA440];
	[tilespmem:s7+$0xA450] =	vst v1;
	v8 =	vmul.f32 $1.131370830e+01, v6  }
0x4c: {  	v6 =	vmul.f32 $1.131370830e+01, v7;
	v1 =	vld [tilespmem:s11+$0xA450];
	[tilespmem:s7+$0xA460] =	vst v2  }
0x4d: {  	s10 =	sadd.s32 $0x200, s10;
	v5 =	vmul.f32 $1.131370830e+01, v5;
	v2 =	vld [tilespmem:s11+$0xA460];
	[tilespmem:s7+$0xA470] =	vst v8;
	s7 =	smov.u32 s11  }
0x4e: {  	[tilespmem:s7+$0xA400] =	vst v6;
	v4 =	vmul.f32 $1.131370830e+01, v4;
	v6 =	vld [tilespmem:s7+$0xA470]  }
0x4f: {  	[tilespmem:s7+$0xA410] =	vst v5;
	v3 =	vmul.f32 $1.131370830e+01, v3  }
0x50: {  	[tilespmem:s7+$0xA420] =	vst v4;
	v0 =	vmul.f32 $1.131370830e+01, v0  }
0x51: {  	s10 =	smul.u32 $0x14000, s31;
	[tilespmem:s7+$0xA430] =	vst v3;
	v1 =	vmul.f32 $1.131370830e+01, v1  }
0x52: {  	[tilespmem:s7+$0xA440] =	vst v0;
	v0 =	vmul.f32 $1.131370830e+01, v2  }
0x53: {  	s10 =	sadd.s32 s10, s8;
	[tilespmem:s7+$0xA450] =	vst v1;
	v1 =	vmul.f32 $1.131370830e+01, v6  }
0x54: {  	s10 =	sshrl.u32 s10, $0x3;
	[tilespmem:s7+$0xA460] =	vst v0  }
0x55: {  	s24 =	sadd.s32 s3, s10;
	[tilespmem:s7+$0xA470] =	vst v1  }
0x56: {  	[hbm4b:s24+s4] =	stream.linear.scatter [tilespmem:s14], [sflag:$0x7], $0x4000, $0x38;
	[tilespmem:$0x1A400] =	vst v63  }
0x57: {  	_ =	swait.ge [sflag:s21], $0x4000  }
0x58: {  	p0 =	seq.s32 s31, $0x27;
	[sflag:s21] =	ssyncset.done $0x0  }
0x59: {  	s7 =	simm.s32 @!p0 $0x6;
	[sflag:s21] =	ssyncadd.s32 $0xFFFFC000  }
0x5a: {  	s10 =	smul.u32 @!p0 $0xA00, s31;
	_ =	swait.ge @!p0 [sflag:s7], $0x4000  }
0x5b: {  	[sflag:s7] =	ssyncset.done @!p0 $0x0  }
0x5c: {  	[sflag:s7] =	ssyncadd.s32 @!p0 $0xFFFFC000;
	s7 =	sshra.s32 @!p0 s10, $0x2  }
0x5d: {  	s11 =	simm.s32 @!p0 $0x80;
	s24 =	simm.s32 @!p0 $0x6400;
	s10 =	sadd.s32 @!p0 $0x280, s7  }
0x5e: {  	[tilespmem:s24], [sflag:$0x1] =	stream.indirect.gather @!p0 [hbm4b:s2+s11], $0x80, s10, s11, $0xb8;
	[tilespmem:$0x1A400] =	vst v63  }
0x5f: {  	s10 =	simm.s32 $0x0  }
0x60: {  	v3 =	vld [tilespmem:s10+$0xE400]  }
0x61: {  	v5 =	vld [tilespmem:s10+$0xE410]  }
0x62: {  	v4 =	vld [tilespmem:s10+$0xE420]  }
0x63: {  	v2 =	vld [tilespmem:s10+$0xE430]  }
0x64: {  	v0 =	vld [tilespmem:s10+$0xE440]  }
0x65: {  	v1 =	vld [tilespmem:s10+$0xE450];
	v6 =	vmul.f32 $1.131370830e+01, v3  }
0x66: {  	s11 =	simm.s32 $0x200;
	v5 =	vmul.f32 $1.131370830e+01, v5;
	v3 =	vld [tilespmem:s10+$0xE460]  }
.LBB2_7:
0x67: {  	s24 =	sshra.s32 s11, $0x2;
	p1 =	sne.s32 s11, $0xFE00;
	[tilespmem:s10+$0xE400] =	vst v6;
	v4 =	vmul.f32 $1.131370830e+01, v4;
	v6 =	vld [tilespmem:s10+$0xE470]  }
0x68: {  	v7 =	vld [tilespmem:s24+$0xE400];
	[tilespmem:s10+$0xE410] =	vst v5;
	v2 =	vmul.f32 $1.131370830e+01, v2  }
0x69: {  	v5 =	vld [tilespmem:s24+$0xE410];
	[tilespmem:s10+$0xE420] =	vst v4;
	v0 =	vmul.f32 $1.131370830e+01, v0  }
.Ltmp2:
0x6a: {  	v4 =	vld [tilespmem:s24+$0xE420];
	[tilespmem:s10+$0xE430] =	vst v2;
	v1 =	vmul.f32 $1.131370830e+01, v1;
	(pc) =	sbr.rel @p1 .LBB2_7-.Ltmp2, $4  }
0x6b: {  	v2 =	vld [tilespmem:s24+$0xE430];
	[tilespmem:s10+$0xE440] =	vst v0;
	v3 =	vmul.f32 $1.131370830e+01, v3  }
0x6c: {  	v0 =	vld [tilespmem:s24+$0xE440];
	[tilespmem:s10+$0xE450] =	vst v1;
	v8 =	vmul.f32 $1.131370830e+01, v6  }
0x6d: {  	v6 =	vmul.f32 $1.131370830e+01, v7;
	v1 =	vld [tilespmem:s24+$0xE450];
	[tilespmem:s10+$0xE460] =	vst v3  }
0x6e: {  	s11 =	sadd.s32 $0x200, s11;
	v5 =	vmul.f32 $1.131370830e+01, v5;
	v3 =	vld [tilespmem:s24+$0xE460];
	[tilespmem:s10+$0xE470] =	vst v8;
	s10 =	smov.u32 s24  }
0x6f: {  	[tilespmem:s10+$0xE400] =	vst v6;
	v4 =	vmul.f32 $1.131370830e+01, v4;
	v6 =	vld [tilespmem:s10+$0xE470]  }
0x70: {  	[tilespmem:s10+$0xE410] =	vst v5;
	v2 =	vmul.f32 $1.131370830e+01, v2  }
0x71: {  	[tilespmem:s10+$0xE420] =	vst v4;
	v0 =	vmul.f32 $1.131370830e+01, v0  }
0x72: {  	[tilespmem:s10+$0xE430] =	vst v2;
	v1 =	vmul.f32 $1.131370830e+01, v1  }
0x73: {  	[tilespmem:s10+$0xE440] =	vst v0;
	v0 =	vmul.f32 $1.131370830e+01, v3  }
0x74: {  	s11 =	sadd.s32 s15, s9;
	[tilespmem:s10+$0xE450] =	vst v1;
	v1 =	vmul.f32 $1.131370830e+01, v6  }
0x75: {  	s11 =	sshll.u32 s11, $0x4;
	[tilespmem:s10+$0xE460] =	vst v0  }
0x76: {  	s24 =	sadd.s32 s3, s11;
	[tilespmem:s10+$0xE470] =	vst v1  }
0x77: {  	[hbm4b:s24+s4] =	stream.linear.scatter [tilespmem:s16], [sflag:$0x8], $0x4000, $0x38;
	[tilespmem:$0x1A400] =	vst v63  }
0x78: {  	_ =	swait.ge [sflag:s22], $0x4000  }
0x79: {  	[sflag:s22] =	ssyncset.done $0x0  }
0x7a: {  	s10 =	simm.s32 @!p0 $0x7;
	[sflag:s22] =	ssyncadd.s32 $0xFFFFC000  }
0x7b: {  	_ =	swait.ge @!p0 [sflag:s10], $0x4000  }
0x7c: {  	s15 =	simm.s32 @!p0 $0xA400;
	[sflag:s10] =	ssyncset.done @!p0 $0x0  }
0x7d: {  	s11 =	simm.s32 @!p0 $0x80;
	[sflag:s10] =	ssyncadd.s32 @!p0 $0xFFFFC000;
	s10 =	sadd.s32 @!p0 $0x300, s7  }
0x7e: {  	[tilespmem:s15], [sflag:$0x2] =	stream.indirect.gather @!p0 [hbm4b:s2+s11], $0x80, s10, s11, $0xb8;
	[tilespmem:$0x1A400] =	vst v63  }
0x7f: {  	s15 =	simm.s32 $0x0  }
0x80: {  	v3 =	vld [tilespmem:s15+$0x12400]  }
0x81: {  	v5 =	vld [tilespmem:s15+$0x12410]  }
0x82: {  	v4 =	vld [tilespmem:s15+$0x12420]  }
0x83: {  	v2 =	vld [tilespmem:s15+$0x12430]  }
0x84: {  	v0 =	vld [tilespmem:s15+$0x12440]  }
0x85: {  	v1 =	vld [tilespmem:s15+$0x12450];
	v6 =	vmul.f32 $1.131370830e+01, v3  }
0x86: {  	s10 =	simm.s32 $0x200;
	v5 =	vmul.f32 $1.131370830e+01, v5;
	v3 =	vld [tilespmem:s15+$0x12460]  }
.LBB2_9:
0x87: {  	s11 =	sshra.s32 s10, $0x2;
	p1 =	sne.s32 s10, $0xFE00;
	[tilespmem:s15+$0x12400] =	vst v6;
	v4 =	vmul.f32 $1.131370830e+01, v4;
	v6 =	vld [tilespmem:s15+$0x12470]  }
0x88: {  	v7 =	vld [tilespmem:s11+$0x12400];
	[tilespmem:s15+$0x12410] =	vst v5;
	v2 =	vmul.f32 $1.131370830e+01, v2  }
0x89: {  	v5 =	vld [tilespmem:s11+$0x12410];
	[tilespmem:s15+$0x12420] =	vst v4;
	v0 =	vmul.f32 $1.131370830e+01, v0  }
.Ltmp3:
0x8a: {  	v4 =	vld [tilespmem:s11+$0x12420];
	[tilespmem:s15+$0x12430] =	vst v2;
	v1 =	vmul.f32 $1.131370830e+01, v1;
	(pc) =	sbr.rel @p1 .LBB2_9-.Ltmp3, $4  }
0x8b: {  	v2 =	vld [tilespmem:s11+$0x12430];
	[tilespmem:s15+$0x12440] =	vst v0;
	v3 =	vmul.f32 $1.131370830e+01, v3  }
0x8c: {  	v0 =	vld [tilespmem:s11+$0x12440];
	[tilespmem:s15+$0x12450] =	vst v1;
	v8 =	vmul.f32 $1.131370830e+01, v6  }
0x8d: {  	v6 =	vmul.f32 $1.131370830e+01, v7;
	v1 =	vld [tilespmem:s11+$0x12450];
	[tilespmem:s15+$0x12460] =	vst v3  }
0x8e: {  	s10 =	sadd.s32 $0x200, s10;
	v5 =	vmul.f32 $1.131370830e+01, v5;
	v3 =	vld [tilespmem:s11+$0x12460];
	[tilespmem:s15+$0x12470] =	vst v8;
	s15 =	smov.u32 s11  }
0x8f: {  	[tilespmem:s15+$0x12400] =	vst v6;
	v4 =	vmul.f32 $1.131370830e+01, v4;
	v6 =	vld [tilespmem:s15+$0x12470]  }
0x90: {  	[tilespmem:s15+$0x12410] =	vst v5;
	v2 =	vmul.f32 $1.131370830e+01, v2  }
0x91: {  	[tilespmem:s15+$0x12420] =	vst v4;
	v0 =	vmul.f32 $1.131370830e+01, v0  }
0x92: {  	[tilespmem:s15+$0x12430] =	vst v2;
	v1 =	vmul.f32 $1.131370830e+01, v1  }
0x93: {  	s1 =	sshll.u32 s1, $0xE;
	[tilespmem:s15+$0x12440] =	vst v0;
	v0 =	vmul.f32 $1.131370830e+01, v3  }
0x94: {  	s1 =	sadd.s32 s6, s1;
	[tilespmem:s15+$0x12450] =	vst v1;
	v1 =	vmul.f32 $1.131370830e+01, v6  }
0x95: {  	s1 =	sshrl.u32 s1, $0x3;
	[tilespmem:s15+$0x12460] =	vst v0  }
0x96: {  	s1 =	sadd.s32 s3, s1;
	[tilespmem:s15+$0x12470] =	vst v1  }
0x97: {  	[hbm4b:s1+s4] =	stream.linear.scatter [tilespmem:s18], [sflag:$0x9], $0x4000, $0x38;
	[tilespmem:$0x1A400] =	vst v63  }
0x98: {  	_ =	swait.ge [sflag:s23], $0x4000  }
0x99: {  	[sflag:s23] =	ssyncset.done $0x0  }
0x9a: {  	s1 =	simm.s32 @!p0 $0x8;
	[sflag:s23] =	ssyncadd.s32 $0xFFFFC000  }
0x9b: {  	_ =	swait.ge @!p0 [sflag:s1], $0x4000  }
0x9c: {  	s10 =	simm.s32 @!p0 $0xE400;
	[sflag:s1] =	ssyncset.done @!p0 $0x0  }
0x9d: {  	[sflag:s1] =	ssyncadd.s32 @!p0 $0xFFFFC000;
	s1 =	sadd.s32 @!p0 $0x380, s7;
	s7 =	simm.s32 @!p0 $0x80  }
0x9e: {  	[tilespmem:s10], [sflag:$0x3] =	stream.indirect.gather @!p0 [hbm4b:s2+s7], $0x80, s1, s7, $0xb8;
	[tilespmem:$0x1A400] =	vst v63  }
0x9f: {  	s1 =	simm.s32 $0x0  }
0xa0: {  	v3 =	vld [tilespmem:s1+$0x16400]  }
0xa1: {  	v5 =	vld [tilespmem:s1+$0x16410]  }
0xa2: {  	v4 =	vld [tilespmem:s1+$0x16420]  }
0xa3: {  	v2 =	vld [tilespmem:s1+$0x16430]  }
0xa4: {  	v0 =	vld [tilespmem:s1+$0x16440]  }
0xa5: {  	v1 =	vld [tilespmem:s1+$0x16450];
	v6 =	vmul.f32 $1.131370830e+01, v3  }
0xa6: {  	s7 =	simm.s32 $0x200;
	v5 =	vmul.f32 $1.131370830e+01, v5;
	v3 =	vld [tilespmem:s1+$0x16460]  }
.LBB2_11:
0xa7: {  	s10 =	sshra.s32 s7, $0x2;
	p0 =	sne.s32 s7, $0xFE00;
	[tilespmem:s1+$0x16400] =	vst v6;
	v4 =	vmul.f32 $1.131370830e+01, v4;
	v6 =	vld [tilespmem:s1+$0x16470]  }
0xa8: {  	v7 =	vld [tilespmem:s10+$0x16400];
	[tilespmem:s1+$0x16410] =	vst v5;
	v2 =	vmul.f32 $1.131370830e+01, v2  }
0xa9: {  	v5 =	vld [tilespmem:s10+$0x16410];
	[tilespmem:s1+$0x16420] =	vst v4;
	v0 =	vmul.f32 $1.131370830e+01, v0  }
.Ltmp4:
0xaa: {  	v4 =	vld [tilespmem:s10+$0x16420];
	[tilespmem:s1+$0x16430] =	vst v2;
	v1 =	vmul.f32 $1.131370830e+01, v1;
	(pc) =	sbr.rel @p0 .LBB2_11-.Ltmp4, $4  }
0xab: {  	v2 =	vld [tilespmem:s10+$0x16430];
	[tilespmem:s1+$0x16440] =	vst v0;
	v3 =	vmul.f32 $1.131370830e+01, v3  }
0xac: {  	v0 =	vld [tilespmem:s10+$0x16440];
	[tilespmem:s1+$0x16450] =	vst v1;
	v8 =	vmul.f32 $1.131370830e+01, v6  }
0xad: {  	v6 =	vmul.f32 $1.131370830e+01, v7;
	v1 =	vld [tilespmem:s10+$0x16450];
	[tilespmem:s1+$0x16460] =	vst v3  }
0xae: {  	s7 =	sadd.s32 $0x200, s7;
	v5 =	vmul.f32 $1.131370830e+01, v5;
	v3 =	vld [tilespmem:s10+$0x16460];
	[tilespmem:s1+$0x16470] =	vst v8;
	s1 =	smov.u32 s10  }
0xaf: {  	[tilespmem:s1+$0x16400] =	vst v6;
	v4 =	vmul.f32 $1.131370830e+01, v4;
	v61 =	vld [tilespmem:s1+$0x16470]  }
0xb0: {  	[tilespmem:s1+$0x16410] =	vst v5;
	v2 =	vmul.f32 $1.131370830e+01, v2  }
0xb1: {  	s31 =	sadd.s32 $0x1, s31;
	[tilespmem:s1+$0x16420] =	vst v4;
	v0 =	vmul.f32 $1.131370830e+01, v0  }
0xb2: {  	p0 =	sne.s32 s31, $0x28;
	[tilespmem:s1+$0x16430] =	vst v2;
	v1 =	vmul.f32 $1.131370830e+01, v1  }
.Ltmp5:
0xb3: {  	s0 =	sshll.u32 s0, $0xE;
	[tilespmem:s1+$0x16440] =	vst v0;
	v62 =	vmul.f32 $1.131370830e+01, v3;
	(pc) =	sbr.rel @p0 .LBB2_2-.Ltmp5, $4  }
0xb4: {  	s0 =	sadd.s32 s6, s0;
	[tilespmem:s1+$0x16450] =	vst v1;
	v63 =	vmul.f32 $1.131370830e+01, v61  }
0xb5: {  	s0 =	sshrl.u32 s0, $0x3;
	[tilespmem:s1+$0x16460] =	vst v62  }
0xb6: {  	s0 =	sadd.s32 s3, s0;
	[tilespmem:s1+$0x16470] =	vst v63  }
0xb7: {  	[hbm4b:s0+s4] =	stream.linear.scatter [tilespmem:s20], [sflag:$0xA], $0x4000, $0x38;
	[tilespmem:$0x1A400] =	vst v63  }
0xb8: {  	s0 =	simm.s32 $0x6  }
0xb9: {  	_ =	swait.ge [sflag:s0], $0x4000  }
0xba: {  	[sflag:s0] =	ssyncset.done $0x0  }
0xbb: {  	[sflag:s0] =	ssyncadd.s32 $0xFFFFC000  }
0xbc: {  	_ =	swait.ge [sflag:s25], $0x4000  }
0xbd: {  	[sflag:s25] =	ssyncset.done $0x0  }
0xbe: {  	[sflag:s25] =	ssyncadd.s32 $0xFFFFC000  }
0xbf: {  	_ =	swait.ge [sflag:s26], $0x4000  }
0xc0: {  	[sflag:s26] =	ssyncset.done $0x0  }
0xc1: {  	[sflag:s26] =	ssyncadd.s32 $0xFFFFC000  }
0xc2: {  	_ =	swait.ge [sflag:s28], $0x4000  }
0xc3: {  	[sflag:s28] =	ssyncset.done $0x0  }
0xc4: {  	[sflag:s28] =	ssyncadd.s32 $0xFFFFC000  }
0xc5: {  	_ =	swait.ge [sflag:s29], $0x4000  }
0xc6: {  	s30 =	sadd.s32 $0x1, s30;
	s31 =	rddreg [dreg:$0x5]  }
0xc7: {  	p0 =	sne.s32 s30, s31  }
.Ltmp6:
0xc8: {  	_ = 	snop;
	(pc) =	sbr.rel @p0 .LBB2_1-.Ltmp6, $3  }
0xc9: {  	_ =	sdelay $0x1  }
0xca: {  	[sflag:s29] =	ssyncset.done $0x0  }
0xcb: {  	[sflag:s29] =	ssyncadd.s32 $0xFFFFC000  }
0xcc: {  	_ =	sfence.sel $0x180000  }
0xcd: {  	[bflag:$0x0] =	sbarrier.arrive $0xFFFF  }
0xce: {  	_ =	strace $0x90000047  }
0xcf: {  	s0 =	stileid.u32;
	[bflag:$0x2] =	sbarrier.arrive $0xFFFF  }
0xd0: {  	p0 =	sne.s32 s0, $0x0;
	s0 =	rddreg [dreg:$0x3]  }
0xd1: {  	s0 =	sadd.s32 @!p0 $0x100000, s0  }
0xd2: {  	[sflag:s0] =	ssyncadd.tile.s32 @!p0 $0x1;
	_ =	shalt  }
.Lfunc_end2:
_tile_overlayer_lowered:
.L_overlay_start_2:
0xd3: {  	(tag) =	ssettag $0x2  }
0xd4: {  	s0 =	rddreg [dreg:$0x0];
	s2 =	stileid.u32  }
0xd5: {  	s1 =	rddreg [dreg:$0x1];
	p0 =	sne.s32 s2, $0x0  }
0xd6: {  	s3 =	rddreg [dreg:$0x2];
	[bflag:$0x3] =	sbarrier.arrive $0xFFFF;
	s2 =	simm.s32 @!p0 $0x1C0B  }
0xd7: {  	[timem:s3], [sflag:s2] =	dma.local @!p0 [hbm:s0], s1  }
0xd8: {  	s0 =	simm.s32 @!p0 $0xB  }
0xd9: {  	_ =	swait.ge @!p0 [sflag:s0], s1  }
0xda: {  	s1 =	ssub.s32 @!p0 $0x0, s1;
	[sflag:s0] =	ssyncset.done @!p0 $0x0  }
0xdb: {  	[sflag:s0] =	ssyncadd.s32 @!p0 s1  }
0xdc: {  	[bflag:$0x3] =	sbarrier.arrive $0xFFFF  }
0xdd: {  	_ =	shalt  }

</sc_bundles>
